<compile_context>
chip_gen: v7x
topology: tpu7x:2x2x1
jax: 0.10.2.dev20260603
libtpu: 0.0.44.dev20260713+nightly
codegen_flags: <defaults>
</compile_context>

<pallas_src>
import functools

import jax
import jax.numpy as jnp
import numpy as np
from jax import lax
from jax.experimental import pallas as pl
from jax.experimental.pallas import tpu as pltpu
from jax.experimental.pallas import tpu_sc as plsc

NUM_SENSE = 3
EMB_DIM = 64
ROW3 = NUM_SENSE * EMB_DIM
LANES = 16
NK = EMB_DIM // LANES

NC = 2
NS = 16
NW = NC * NS
EB = 4

_TINY = float(np.finfo(np.float32).tiny)


def _pad8(x):
    return (x + 7) // 8 * 8


def _vdot(ref, row, s, v4):
    acc = ref[row, pl.ds(s * EMB_DIM, LANES)] * v4[0]
    for k in range(1, NK):
        acc = acc + ref[row, pl.ds(s * EMB_DIM + k * LANES, LANES)] * v4[k]
    return jnp.sum(acc)


def _row4(ref, row, s):
    return [ref[row, pl.ds(s * EMB_DIM + k * LANES, LANES)] for k in range(NK)]


def _store_scalar_vec(ref, idx, splat_vec):
    lane = lax.iota(jnp.int32, LANES)
    plsc.store_scatter(ref, [jnp.full((LANES,), idx, jnp.int32)],
                       splat_vec, mask=lane == 0)


def _softmax3_vec(t0, t1, t2):
    m = jnp.maximum(jnp.maximum(t0, t1), t2)
    e0 = jnp.exp(jnp.broadcast_to(t0 - m, (LANES,)))
    e1 = jnp.exp(jnp.broadcast_to(t1 - m, (LANES,)))
    e2 = jnp.exp(jnp.broadcast_to(t2 - m, (LANES,)))
    inv = 1.0 / (e0 + e1 + e2)
    return e0 * inv, e1 * inv, e2 * inv


def _sc_body(emb3, dis3, glob, icg, iw, ing,
             p_out, q_out,
             v_icg, v_iw, v_ing,
             bufs_a, bufs_b, pbuf, qbuf, sems_a, sems_b,
             *, c, n, n_eb):
    wid = lax.axis_index("s") * NC + lax.axis_index("c")
    ecb = EB * c
    enb = EB * n
    enb_p = _pad8(enb)
    ewb_p = _pad8(EB)
    wctx = n_eb * ecb
    wneg = n_eb * enb

    pltpu.sync_copy(icg.at[pl.ds(wid * wctx, wctx)], v_icg)
    pltpu.sync_copy(iw.at[pl.ds(wid * (n_eb * ewb_p), n_eb * ewb_p)], v_iw)
    pltpu.sync_copy(ing.at[pl.ds(wid * (n_eb * enb_p), n_eb * enb_p)], v_ing)

    def streams(i, bufs, sems):
        be, bd, bg, bng, bwe, bwd = bufs
        gg = v_icg.at[pl.ds(i * ecb, ecb)]
        nn = v_ing.at[pl.ds(i * enb_p, enb_p)]
        ww = v_iw.at[pl.ds(i * ewb_p, ewb_p)]
        return ((dis3.at[gg], bd, sems[0]), (emb3.at[gg], be, sems[1]),
                (glob.at[gg], bg, sems[2]), (glob.at[nn], bng, sems[3]),
                (emb3.at[ww], bwe, sems[4]), (dis3.at[ww], bwd, sems[5]))

    def issue(i, bufs, sems):
        for src, dst, sem in streams(i, bufs, sems):
            pltpu.async_copy(src, dst, sem)

    def wait(i, bufs, sems):
        for src, dst, sem in streams(i, bufs, sems):
            pltpu.make_async_copy(src, dst, sem).wait()

    def compute(i, bufs):
        be, bd, bg, bng, bwe, bwd = bufs
        for b in range(EB):
            base_c = b * c

            def cacc(cc, acc4):
                r4 = _row4(bg, base_c + cc, 0)
                return [acc4[k] + r4[k] for k in range(NK)]
            v0 = lax.fori_loop(0, c, cacc, [jnp.zeros((LANES,), jnp.float32)] * NK)
            v0 = [x * (1.0 / c) for x in v0]

            def dis_pass(v4):
                def body(cc, u4):
                    row = base_c + cc
                    a0, a1, a2 = _softmax3_vec(
                        _vdot(bd, row, 0, v4), _vdot(bd, row, 1, v4),
                        _vdot(bd, row, 2, v4))
                    r0 = _row4(be, row, 0)
                    r1 = _row4(be, row, 1)
                    r2 = _row4(be, row, 2)
                    return [u4[k] + a0 * r0[k] + a1 * r1[k] + a2 * r2[k]
                            for k in range(NK)]
                u4 = lax.fori_loop(0, c, body, [jnp.zeros((LANES,), jnp.float32)] * NK)
                return [x * (1.0 / c) for x in u4]

            v3 = dis_pass(dis_pass(v0))

            aw0, aw1, aw2 = _softmax3_vec(
                _vdot(bwd, b, 0, v3), _vdot(bwd, b, 1, v3), _vdot(bwd, b, 2, v3))
            we0 = _row4(bwe, b, 0)
            we1 = _row4(bwe, b, 1)
            we2 = _row4(bwe, b, 2)

            def mix_prob(rows_ref, row):
                t0 = _vdot(rows_ref, row, 0, we0)
                t1 = _vdot(rows_ref, row, 0, we1)
                t2 = _vdot(rows_ref, row, 0, we2)
                g0 = 1.0 / (1.0 + jnp.exp(jnp.broadcast_to(-t0, (LANES,))))
                g1 = 1.0 / (1.0 + jnp.exp(jnp.broadcast_to(-t1, (LANES,))))
                g2 = 1.0 / (1.0 + jnp.exp(jnp.broadcast_to(-t2, (LANES,))))
                return aw0 * g0 + aw1 * g1 + aw2 * g2

            def pos_body(cc, carry):
                _store_scalar_vec(pbuf, i * ecb + base_c + cc,
                                  mix_prob(bg, base_c + cc))
                return carry

            lax.fori_loop(0, c, pos_body, 0)

            def neg_body(nb, carry):
                _store_scalar_vec(qbuf, i * enb + b * n + nb,
                                  mix_prob(bng, b * n + nb))
                return carry

            lax.fori_loop(0, n, neg_body, 0)

    issue(0, bufs_a, sems_a)

    def pair_step(i2, carry):
        c0 = 2 * i2
        issue(c0 + 1, bufs_b, sems_b)
        wait(c0, bufs_a, sems_a)

        @pl.when(c0 + 2 < n_eb)
        def _():
            issue(c0 + 2, bufs_a, sems_a)

        wait(c0 + 1, bufs_b, sems_b)
        return carry

    lax.fori_loop(0, n_eb // 2, pair_step, 0)

    pltpu.sync_copy(pbuf, p_out.at[pl.ds(wid * wctx, wctx)])
    pltpu.sync_copy(qbuf, q_out.at[pl.ds(wid * wneg, wneg)])


def _sc_probs(emb_w, dis_w, glob, word_ids, context_ids, neg_ids):
    b, c = context_ids.shape
    n = neg_ids.shape[1]
    vocab = glob.shape[0]
    wb = b // NW
    n_eb = wb // EB
    ecb, enb = EB * c, EB * n
    enb_p = _pad8(enb)
    ewb_p = _pad8(EB)

    emb3 = emb_w.reshape(vocab, ROW3)
    dis3 = dis_w.reshape(vocab, ROW3)
    icg = context_ids.reshape(-1)
    iw = jnp.concatenate(
        [word_ids.reshape(b // EB, EB),
         jnp.zeros((b // EB, ewb_p - EB), word_ids.dtype)], axis=1).reshape(-1)
    ing = jnp.concatenate(
        [neg_ids.reshape(b // EB, enb),
         jnp.zeros((b // EB, enb_p - enb), neg_ids.dtype)], axis=1).reshape(-1)

    f32 = jnp.float32
    mesh = plsc.VectorSubcoreMesh(core_axis_name="c", subcore_axis_name="s",
                                  num_cores=NC, num_subcores=NS)

    def bufset():
        return [pltpu.VMEM((ecb, ROW3), f32),
                pltpu.VMEM((ecb, ROW3), f32),
                pltpu.VMEM((ecb, EMB_DIM), f32),
                pltpu.VMEM((enb_p, EMB_DIM), f32),
                pltpu.VMEM((ewb_p, ROW3), f32),
                pltpu.VMEM((ewb_p, ROW3), f32)]

    run = pl.kernel(
        functools.partial(_sc_body, c=c, n=n, n_eb=n_eb),
        out_type=[jax.ShapeDtypeStruct((b * c,), f32),
                  jax.ShapeDtypeStruct((b * n,), f32)],
        mesh=mesh,
        compiler_params=pltpu.CompilerParams(use_tc_tiling_on_sc=False,
                                             needs_layout_passes=False),
        scratch_types=(
            [pltpu.VMEM((wb * c,), jnp.int32),
             pltpu.VMEM((n_eb * ewb_p,), jnp.int32),
             pltpu.VMEM((n_eb * enb_p,), jnp.int32)]
            + [bufset(), bufset()]
            + [pltpu.VMEM((wb * c,), f32),
               pltpu.VMEM((wb * n,), f32)]
            + [[pltpu.SemaphoreType.DMA] * 6, [pltpu.SemaphoreType.DMA] * 6]
        ),
    )
    return run(emb3, dis3, glob, icg, iw, ing)


def _loss_body(p_ref, q_ref, out_ref, *, denom):
    p = p_ref[...]
    q = q_ref[...]
    loss = (-jnp.sum(jnp.log(jnp.maximum(p, _TINY)))
            - jnp.sum(jnp.log(jnp.maximum(1.0 - q, _TINY))))
    out_ref[0, 0] = loss * denom


def _loss(p, q, b, c, n):
    out = pl.pallas_call(
        functools.partial(_loss_body, denom=1.0 / (b * c)),
        in_specs=[pl.BlockSpec((b, c), lambda: (0, 0)),
                  pl.BlockSpec((b, n), lambda: (0, 0))],
        out_specs=pl.BlockSpec((1, 1), lambda: (0, 0), memory_space=pltpu.SMEM),
        out_shape=jax.ShapeDtypeStruct((1, 1), jnp.float32),
    )(p.reshape(b, c), q.reshape(b, n))
    return out[0, 0]


def kernel(word_ids, context_ids, context_masks, neg_ids, emb_w, global_w, disamb_w):
    del context_masks
    b, c = context_ids.shape
    n = neg_ids.shape[1]
    p, q = _sc_probs(emb_w, disamb_w, global_w, word_ids, context_ids, neg_ids)
    return _loss(p, q, b, c, n)

# --- scband reference (transcript-rebuilt; emitter-appended) ---
"""Pipeline reference for scband-net-7919919694130 (READ-ONLY COPY).

The authoritative reference and input builder live on the scoring server;
editing this copy changes nothing except your own understanding.
"""

import jax, jax.numpy as jnp
import numpy as np

VOCAB = 100000
NUM_SENSE = 3
EMB_DIM = 64
B = 4096
C = 20
N_NEG = 5


def setup_inputs(seed: int = 0) -> dict:
    key = jax.random.key(seed)
    k1, k2, k3, k4, k5, k6, k7 = jax.random.split(key, 7)
    word_ids = jax.random.randint(k1, (B,), 0, VOCAB)
    context_ids = jax.random.randint(k2, (B, C), 0, VOCAB)
    context_masks = jnp.ones((B, C), dtype=jnp.float32)
    neg_ids = jax.random.randint(k3, (B, N_NEG), 0, VOCAB)
    lim = 1.0 / EMB_DIM
    emb_w = jax.random.uniform(k4, (VOCAB * NUM_SENSE, EMB_DIM), minval=-lim, maxval=lim, dtype=jnp.float32)
    global_w = jax.random.uniform(k5, (VOCAB, EMB_DIM), minval=-lim, maxval=lim, dtype=jnp.float32)
    disamb_w = jax.random.uniform(k6, (VOCAB * NUM_SENSE, EMB_DIM), minval=-lim, maxval=lim, dtype=jnp.float32)
    return {
        "word_ids": word_ids,
        "context_ids": context_ids,
        "context_masks": context_masks,
        "neg_ids": neg_ids,
        "emb_w": emb_w,
        "global_w": global_w,
        "disamb_w": disamb_w,
    }


def reference(word_ids, context_ids, context_masks, neg_ids, emb_w, global_w, disamb_w):
    tiny = jnp.asarray(np.finfo(np.float32).tiny, dtype=jnp.float32)
    senses = jnp.arange(NUM_SENSE, dtype=word_ids.dtype)
    # sense ids for target words: [B, S]
    sense_ids = word_ids[:, None] * NUM_SENSE + senses[None, :]
    sense_embs = jnp.take(emb_w, sense_ids, axis=0)          # [B, S, d]
    disamb_embs = jnp.take(disamb_w, sense_ids, axis=0)      # [B, S, d]
    context_embs = jnp.take(global_w, context_ids, axis=0)   # [B, C, d]
    sample_embs = jnp.take(global_w, neg_ids, axis=0)        # [B, N, d]
    context_emb = context_embs.mean(axis=1)[..., None]       # [B, d, 1]
    b, c = context_ids.shape
    # all-sense ids for context words: [B, C, S]
    all_sense_ids = context_ids[..., None] * NUM_SENSE + senses[None, None, :]
    all_sense_embs = jnp.take(emb_w, all_sense_ids, axis=0)     # [B, C, S, d]
    all_disamb_embs = jnp.take(disamb_w, all_sense_ids, axis=0) # [B, C, S, d]
    all_alpha = jax.nn.softmax(
        jnp.matmul(all_disamb_embs.reshape(b, -1, EMB_DIM), context_emb).reshape(b, c, NUM_SENSE, 1),
        axis=2)
    context_emb2 = (all_sense_embs * all_alpha).sum(axis=2).mean(axis=1)[..., None]
    all_alpha2 = jax.nn.softmax(
        jnp.matmul(all_disamb_embs.reshape(b, -1, EMB_DIM), context_emb2).reshape(b, c, NUM_SENSE, 1),
        axis=2)
    context_emb3 = (all_sense_embs * all_alpha2).sum(axis=2).mean(axis=1)[..., None]
    alpha = jnp.matmul(disamb_embs, context_emb3)             # [B, S, 1]
    alpha_soft = jax.nn.softmax(alpha, axis=1)
    pos_prob = jax.nn.sigmoid(jnp.matmul(sense_embs, jnp.swapaxes(context_embs, 1, 2)))  # [B, S, C]
    neg_prob = jax.nn.sigmoid(jnp.matmul(sense_embs, jnp.swapaxes(sample_embs, 1, 2)))   # [B, S, N]
    pos_loss = -jnp.log(jnp.maximum((pos_prob * alpha_soft).sum(axis=1), tiny)).sum()
    neg_loss = -jnp.log(jnp.maximum(1.0 - (neg_prob * alpha_soft).sum(axis=1), tiny)).sum()
    loss = (pos_loss + neg_loss) / context_ids.size
    return loss

if __name__ == "__main__":
    import jax
    _d = setup_inputs()
    print(jax.jit(kernel)(*tuple(_d.values())))

</pallas_src>

<mosaic_0001>
#map = affine_map<(d0, d1) -> (0, 0)>
#map1 = affine_map<(d0, d1) -> (0)>
module attributes {stable_mosaic.version = 14 : i64} {
  func.func @_sc_body(%arg0: i32, %arg1: i32, %arg2: memref<100000x192xf32, #tpu.memory_space<hbm>>, %arg3: memref<100000x192xf32, #tpu.memory_space<hbm>>, %arg4: memref<100000x64xf32, #tpu.memory_space<hbm>>, %arg5: memref<81920xi32, #tpu.memory_space<hbm>>, %arg6: memref<8192xi32, #tpu.memory_space<hbm>>, %arg7: memref<24576xi32, #tpu.memory_space<hbm>>, %arg8: memref<81920xf32, #tpu.memory_space<hbm>>, %arg9: memref<20480xf32, #tpu.memory_space<hbm>>, %arg10: memref<2560xi32, #tpu.memory_space<vmem>>, %arg11: memref<256xi32, #tpu.memory_space<vmem>>, %arg12: memref<768xi32, #tpu.memory_space<vmem>>, %arg13: memref<80x192xf32, #tpu.memory_space<vmem>>, %arg14: memref<80x192xf32, #tpu.memory_space<vmem>>, %arg15: memref<80x64xf32, #tpu.memory_space<vmem>>, %arg16: memref<24x64xf32, #tpu.memory_space<vmem>>, %arg17: memref<8x192xf32, #tpu.memory_space<vmem>>, %arg18: memref<8x192xf32, #tpu.memory_space<vmem>>, %arg19: memref<80x192xf32, #tpu.memory_space<vmem>>, %arg20: memref<80x192xf32, #tpu.memory_space<vmem>>, %arg21: memref<80x64xf32, #tpu.memory_space<vmem>>, %arg22: memref<24x64xf32, #tpu.memory_space<vmem>>, %arg23: memref<8x192xf32, #tpu.memory_space<vmem>>, %arg24: memref<8x192xf32, #tpu.memory_space<vmem>>, %arg25: memref<2560xf32, #tpu.memory_space<vmem>>, %arg26: memref<640xf32, #tpu.memory_space<vmem>>, %arg27: memref<!tpu.dma_semaphore, #tpu.memory_space<semaphore_mem>>, %arg28: memref<!tpu.dma_semaphore, #tpu.memory_space<semaphore_mem>>, %arg29: memref<!tpu.dma_semaphore, #tpu.memory_space<semaphore_mem>>, %arg30: memref<!tpu.dma_semaphore, #tpu.memory_space<semaphore_mem>>, %arg31: memref<!tpu.dma_semaphore, #tpu.memory_space<semaphore_mem>>, %arg32: memref<!tpu.dma_semaphore, #tpu.memory_space<semaphore_mem>>, %arg33: memref<!tpu.dma_semaphore, #tpu.memory_space<semaphore_mem>>, %arg34: memref<!tpu.dma_semaphore, #tpu.memory_space<semaphore_mem>>, %arg35: memref<!tpu.dma_semaphore, #tpu.memory_space<semaphore_mem>>, %arg36: memref<!tpu.dma_semaphore, #tpu.memory_space<semaphore_mem>>, %arg37: memref<!tpu.dma_semaphore, #tpu.memory_space<semaphore_mem>>, %arg38: memref<!tpu.dma_semaphore, #tpu.memory_space<semaphore_mem>>) attributes {dimension_semantics = [#tpu.dimension_semantics<core_parallel>, #tpu.dimension_semantics<subcore_parallel>], iteration_bounds = array<i64: 2, 16>, scalar_prefetch = 0 : i64, scratch_operands = 29 : i64, tpu.core_type = #tpu.core_type<sc_vector_subcore>, window_params = [{transform_indices = #map}, {transform_indices = #map}, {transform_indices = #map}, {transform_indices = #map1}, {transform_indices = #map1}, {transform_indices = #map1}, {transform_indices = #map1}, {transform_indices = #map1}]} {
    %mul3A = arith.constant 2 : i32
    %mul3A_0 = arith.muli %arg1, %mul3A : i32
    %add3A = arith.addi %mul3A_0, %arg0 : i32
    %mul3A_1 = arith.constant 2560 : i32
    %mul3A_2 = arith.muli %add3A, %mul3A_1 : i32
    "tpu.region"() ({
      %run_scoped3A = tpu.sem_alloc : memref<!tpu.dma_semaphore, #tpu.memory_space<semaphore_mem>>
      %dma_start3A_45 = tpu.memref_slice %arg5[%mul3A_2] : memref<81920xi32, #tpu.memory_space<hbm>> -> memref<2560xi32, #tpu.memory_space<hbm>>
      %dma_start3A_46 = tpu.memref_slice %arg5[%mul3A_2] : memref<81920xi32, #tpu.memory_space<hbm>> -> memref<2560xi32, #tpu.memory_space<hbm>>
      tpu.enqueue_dma source(%dma_start3A_46 : memref<2560xi32, #tpu.memory_space<hbm>>) target(%arg10 : memref<2560xi32, #tpu.memory_space<vmem>>) target_semaphore(%run_scoped3A : memref<!tpu.dma_semaphore, #tpu.memory_space<semaphore_mem>>)
      %dma_wait3A = tpu.memref_slice %arg5[%mul3A_2] : memref<81920xi32, #tpu.memory_space<hbm>> -> memref<2560xi32, #tpu.memory_space<hbm>>
      %dma_wait3A_47 = tpu.memref_slice %arg5[%mul3A_2] : memref<81920xi32, #tpu.memory_space<hbm>> -> memref<2560xi32, #tpu.memory_space<hbm>>
      tpu.wait_dma2 semaphore(%run_scoped3A : memref<!tpu.dma_semaphore, #tpu.memory_space<semaphore_mem>>) src(%dma_wait3A_47 : memref<2560xi32, #tpu.memory_space<hbm>>) dst(%arg10 : memref<2560xi32, #tpu.memory_space<vmem>>)
      tpu.yield
    }) : () -> ()
    %mul3A_3 = arith.constant 256 : i32
    %mul3A_4 = arith.muli %add3A, %mul3A_3 : i32
    "tpu.region"() ({
      %run_scoped3A = tpu.sem_alloc : memref<!tpu.dma_semaphore, #tpu.memory_space<semaphore_mem>>
      %dma_start3A_45 = tpu.memref_slice %arg6[%mul3A_4] : memref<8192xi32, #tpu.memory_space<hbm>> -> memref<256xi32, #tpu.memory_space<hbm>>
      %dma_start3A_46 = tpu.memref_slice %arg6[%mul3A_4] : memref<8192xi32, #tpu.memory_space<hbm>> -> memref<256xi32, #tpu.memory_space<hbm>>
      tpu.enqueue_dma source(%dma_start3A_46 : memref<256xi32, #tpu.memory_space<hbm>>) target(%arg11 : memref<256xi32, #tpu.memory_space<vmem>>) target_semaphore(%run_scoped3A : memref<!tpu.dma_semaphore, #tpu.memory_space<semaphore_mem>>)
      %dma_wait3A = tpu.memref_slice %arg6[%mul3A_4] : memref<8192xi32, #tpu.memory_space<hbm>> -> memref<256xi32, #tpu.memory_space<hbm>>
      %dma_wait3A_47 = tpu.memref_slice %arg6[%mul3A_4] : memref<8192xi32, #tpu.memory_space<hbm>> -> memref<256xi32, #tpu.memory_space<hbm>>
      tpu.wait_dma2 semaphore(%run_scoped3A : memref<!tpu.dma_semaphore, #tpu.memory_space<semaphore_mem>>) src(%dma_wait3A_47 : memref<256xi32, #tpu.memory_space<hbm>>) dst(%arg11 : memref<256xi32, #tpu.memory_space<vmem>>)
      tpu.yield
    }) : () -> ()
    %mul3A_5 = arith.constant 768 : i32
    %mul3A_6 = arith.muli %add3A, %mul3A_5 : i32
    "tpu.region"() ({
      %run_scoped3A = tpu.sem_alloc : memref<!tpu.dma_semaphore, #tpu.memory_space<semaphore_mem>>
      %dma_start3A_45 = tpu.memref_slice %arg7[%mul3A_6] : memref<24576xi32, #tpu.memory_space<hbm>> -> memref<768xi32, #tpu.memory_space<hbm>>
      %dma_start3A_46 = tpu.memref_slice %arg7[%mul3A_6] : memref<24576xi32, #tpu.memory_space<hbm>> -> memref<768xi32, #tpu.memory_space<hbm>>
      tpu.enqueue_dma source(%dma_start3A_46 : memref<768xi32, #tpu.memory_space<hbm>>) target(%arg12 : memref<768xi32, #tpu.memory_space<vmem>>) target_semaphore(%run_scoped3A : memref<!tpu.dma_semaphore, #tpu.memory_space<semaphore_mem>>)
      %dma_wait3A = tpu.memref_slice %arg7[%mul3A_6] : memref<24576xi32, #tpu.memory_space<hbm>> -> memref<768xi32, #tpu.memory_space<hbm>>
      %dma_wait3A_47 = tpu.memref_slice %arg7[%mul3A_6] : memref<24576xi32, #tpu.memory_space<hbm>> -> memref<768xi32, #tpu.memory_space<hbm>>
      tpu.wait_dma2 semaphore(%run_scoped3A : memref<!tpu.dma_semaphore, #tpu.memory_space<semaphore_mem>>) src(%dma_wait3A_47 : memref<768xi32, #tpu.memory_space<hbm>>) dst(%arg12 : memref<768xi32, #tpu.memory_space<vmem>>)
      tpu.yield
    }) : () -> ()
    %dma_start3A = arith.constant 0 : i32
    %dma_start3A_7 = tpu.memref_slice %arg10[%dma_start3A] : memref<2560xi32, #tpu.memory_space<vmem>> -> memref<80xi32, #tpu.memory_space<vmem>>
    %dma_start3A_8 = arith.constant 0 : i32
    %dma_start3A_9 = arith.constant 0 : i32
    %dma_start3A_10 = tpu.memref_slice %arg3[%dma_start3A_8, %dma_start3A_9] : memref<100000x192xf32, #tpu.memory_space<hbm>> -> memref<100000x192xf32, #tpu.memory_space<hbm>>
    tpu.enqueue_indirect_dma source(%dma_start3A_10 : memref<100000x192xf32, #tpu.memory_space<hbm>>) target(%arg14 : memref<80x192xf32, #tpu.memory_space<vmem>>) offsets(%dma_start3A_7 : memref<80xi32, #tpu.memory_space<vmem>>) semaphore(%arg27 : memref<!tpu.dma_semaphore, #tpu.memory_space<semaphore_mem>>)
    %dma_start3A_11 = arith.constant 0 : i32
    %dma_start3A_12 = tpu.memref_slice %arg10[%dma_start3A_11] : memref<2560xi32, #tpu.memory_space<vmem>> -> memref<80xi32, #tpu.memory_space<vmem>>
    %dma_start3A_13 = arith.constant 0 : i32
    %dma_start3A_14 = arith.constant 0 : i32
    %dma_start3A_15 = tpu.memref_slice %arg2[%dma_start3A_13, %dma_start3A_14] : memref<100000x192xf32, #tpu.memory_space<hbm>> -> memref<100000x192xf32, #tpu.memory_space<hbm>>
    tpu.enqueue_indirect_dma source(%dma_start3A_15 : memref<100000x192xf32, #tpu.memory_space<hbm>>) target(%arg13 : memref<80x192xf32, #tpu.memory_space<vmem>>) offsets(%dma_start3A_12 : memref<80xi32, #tpu.memory_space<vmem>>) semaphore(%arg28 : memref<!tpu.dma_semaphore, #tpu.memory_space<semaphore_mem>>)
    %dma_start3A_16 = arith.constant 0 : i32
    %dma_start3A_17 = tpu.memref_slice %arg10[%dma_start3A_16] : memref<2560xi32, #tpu.memory_space<vmem>> -> memref<80xi32, #tpu.memory_space<vmem>>
    %dma_start3A_18 = arith.constant 0 : i32
    %dma_start3A_19 = arith.constant 0 : i32
    %dma_start3A_20 = tpu.memref_slice %arg4[%dma_start3A_18, %dma_start3A_19] : memref<100000x64xf32, #tpu.memory_space<hbm>> -> memref<100000x64xf32, #tpu.memory_space<hbm>>
    tpu.enqueue_indirect_dma source(%dma_start3A_20 : memref<100000x64xf32, #tpu.memory_space<hbm>>) target(%arg15 : memref<80x64xf32, #tpu.memory_space<vmem>>) offsets(%dma_start3A_17 : memref<80xi32, #tpu.memory_space<vmem>>) semaphore(%arg29 : memref<!tpu.dma_semaphore, #tpu.memory_space<semaphore_mem>>)
    %dma_start3A_21 = arith.constant 0 : i32
    %dma_start3A_22 = tpu.memref_slice %arg12[%dma_start3A_21] : memref<768xi32, #tpu.memory_space<vmem>> -> memref<24xi32, #tpu.memory_space<vmem>>
    %dma_start3A_23 = arith.constant 0 : i32
    %dma_start3A_24 = arith.constant 0 : i32
    %dma_start3A_25 = tpu.memref_slice %arg4[%dma_start3A_23, %dma_start3A_24] : memref<100000x64xf32, #tpu.memory_space<hbm>> -> memref<100000x64xf32, #tpu.memory_space<hbm>>
    tpu.enqueue_indirect_dma source(%dma_start3A_25 : memref<100000x64xf32, #tpu.memory_space<hbm>>) target(%arg16 : memref<24x64xf32, #tpu.memory_space<vmem>>) offsets(%dma_start3A_22 : memref<24xi32, #tpu.memory_space<vmem>>) semaphore(%arg30 : memref<!tpu.dma_semaphore, #tpu.memory_space<semaphore_mem>>)
    %dma_start3A_26 = arith.constant 0 : i32
    %dma_start3A_27 = tpu.memref_slice %arg11[%dma_start3A_26] : memref<256xi32, #tpu.memory_space<vmem>> -> memref<8xi32, #tpu.memory_space<vmem>>
    %dma_start3A_28 = arith.constant 0 : i32
    %dma_start3A_29 = arith.constant 0 : i32
    %dma_start3A_30 = tpu.memref_slice %arg2[%dma_start3A_28, %dma_start3A_29] : memref<100000x192xf32, #tpu.memory_space<hbm>> -> memref<100000x192xf32, #tpu.memory_space<hbm>>
    tpu.enqueue_indirect_dma source(%dma_start3A_30 : memref<100000x192xf32, #tpu.memory_space<hbm>>) target(%arg17 : memref<8x192xf32, #tpu.memory_space<vmem>>) offsets(%dma_start3A_27 : memref<8xi32, #tpu.memory_space<vmem>>) semaphore(%arg31 : memref<!tpu.dma_semaphore, #tpu.memory_space<semaphore_mem>>)
    %dma_start3A_31 = arith.constant 0 : i32
    %dma_start3A_32 = tpu.memref_slice %arg11[%dma_start3A_31] : memref<256xi32, #tpu.memory_space<vmem>> -> memref<8xi32, #tpu.memory_space<vmem>>
    %dma_start3A_33 = arith.constant 0 : i32
    %dma_start3A_34 = arith.constant 0 : i32
    %dma_start3A_35 = tpu.memref_slice %arg3[%dma_start3A_33, %dma_start3A_34] : memref<100000x192xf32, #tpu.memory_space<hbm>> -> memref<100000x192xf32, #tpu.memory_space<hbm>>
    tpu.enqueue_indirect_dma source(%dma_start3A_35 : memref<100000x192xf32, #tpu.memory_space<hbm>>) target(%arg18 : memref<8x192xf32, #tpu.memory_space<vmem>>) offsets(%dma_start3A_32 : memref<8xi32, #tpu.memory_space<vmem>>) semaphore(%arg32 : memref<!tpu.dma_semaphore, #tpu.memory_space<semaphore_mem>>)
    %scan3A = arith.constant 0 : i32
    %scan3A_36 = arith.constant 0 : i32
    %scan3A_37 = arith.constant 16 : i32
    %scan3A_38 = arith.addi %scan3A_36, %scan3A_37 : i32
    %scan3A_39 = arith.constant 1 : i32
    scf.for %scan3A_45 = %scan3A_36 to %scan3A_38 step %scan3A_39  : i32 {
      %mul3A_46 = arith.constant 2 : i32
      %mul3A_47 = arith.muli %mul3A_46, %scan3A_45 : i32
      %add3A_48 = arith.constant 1 : i32
      %add3A_49 = arith.addi %mul3A_47, %add3A_48 : i32
      %mul3A_50 = arith.constant 80 : i32
      %mul3A_51 = arith.muli %add3A_49, %mul3A_50 : i32
      %mul3A_52 = arith.constant 24 : i32
      %mul3A_53 = arith.muli %add3A_49, %mul3A_52 : i32
      %mul3A_54 = arith.constant 8 : i32
      %mul3A_55 = arith.muli %add3A_49, %mul3A_54 : i32
      %dma_start3A_56 = tpu.memref_slice %arg10[%mul3A_51] : memref<2560xi32, #tpu.memory_space<vmem>> -> memref<80xi32, #tpu.memory_space<vmem>>
      %dma_start3A_57 = arith.constant 0 : i32
      %dma_start3A_58 = arith.constant 0 : i32
      %dma_start3A_59 = tpu.memref_slice %arg3[%dma_start3A_57, %dma_start3A_58] : memref<100000x192xf32, #tpu.memory_space<hbm>> -> memref<100000x192xf32, #tpu.memory_space<hbm>>
      tpu.enqueue_indirect_dma source(%dma_start3A_59 : memref<100000x192xf32, #tpu.memory_space<hbm>>) target(%arg20 : memref<80x192xf32, #tpu.memory_space<vmem>>) offsets(%dma_start3A_56 : memref<80xi32, #tpu.memory_space<vmem>>) semaphore(%arg33 : memref<!tpu.dma_semaphore, #tpu.memory_space<semaphore_mem>>)
      %dma_start3A_60 = tpu.memref_slice %arg10[%mul3A_51] : memref<2560xi32, #tpu.memory_space<vmem>> -> memref<80xi32, #tpu.memory_space<vmem>>
      %dma_start3A_61 = arith.constant 0 : i32
      %dma_start3A_62 = arith.constant 0 : i32
      %dma_start3A_63 = tpu.memref_slice %arg2[%dma_start3A_61, %dma_start3A_62] : memref<100000x192xf32, #tpu.memory_space<hbm>> -> memref<100000x192xf32, #tpu.memory_space<hbm>>
      tpu.enqueue_indirect_dma source(%dma_start3A_63 : memref<100000x192xf32, #tpu.memory_space<hbm>>) target(%arg19 : memref<80x192xf32, #tpu.memory_space<vmem>>) offsets(%dma_start3A_60 : memref<80xi32, #tpu.memory_space<vmem>>) semaphore(%arg34 : memref<!tpu.dma_semaphore, #tpu.memory_space<semaphore_mem>>)
      %dma_start3A_64 = tpu.memref_slice %arg10[%mul3A_51] : memref<2560xi32, #tpu.memory_space<vmem>> -> memref<80xi32, #tpu.memory_space<vmem>>
      %dma_start3A_65 = arith.constant 0 : i32
      %dma_start3A_66 = arith.constant 0 : i32
      %dma_start3A_67 = tpu.memref_slice %arg4[%dma_start3A_65, %dma_start3A_66] : memref<100000x64xf32, #tpu.memory_space<hbm>> -> memref<100000x64xf32, #tpu.memory_space<hbm>>
      tpu.enqueue_indirect_dma source(%dma_start3A_67 : memref<100000x64xf32, #tpu.memory_space<hbm>>) target(%arg21 : memref<80x64xf32, #tpu.memory_space<vmem>>) offsets(%dma_start3A_64 : memref<80xi32, #tpu.memory_space<vmem>>) semaphore(%arg35 : memref<!tpu.dma_semaphore, #tpu.memory_space<semaphore_mem>>)
      %dma_start3A_68 = tpu.memref_slice %arg12[%mul3A_53] : memref<768xi32, #tpu.memory_space<vmem>> -> memref<24xi32, #tpu.memory_space<vmem>>
      %dma_start3A_69 = arith.constant 0 : i32
      %dma_start3A_70 = arith.constant 0 : i32
      %dma_start3A_71 = tpu.memref_slice %arg4[%dma_start3A_69, %dma_start3A_70] : memref<100000x64xf32, #tpu.memory_space<hbm>> -> memref<100000x64xf32, #tpu.memory_space<hbm>>
      tpu.enqueue_indirect_dma source(%dma_start3A_71 : memref<100000x64xf32, #tpu.memory_space<hbm>>) target(%arg22 : memref<24x64xf32, #tpu.memory_space<vmem>>) offsets(%dma_start3A_68 : memref<24xi32, #tpu.memory_space<vmem>>) semaphore(%arg36 : memref<!tpu.dma_semaphore, #tpu.memory_space<semaphore_mem>>)
      %dma_start3A_72 = tpu.memref_slice %arg11[%mul3A_55] : memref<256xi32, #tpu.memory_space<vmem>> -> memref<8xi32, #tpu.memory_space<vmem>>
      %dma_start3A_73 = arith.constant 0 : i32
      %dma_start3A_74 = arith.constant 0 : i32
      %dma_start3A_75 = tpu.memref_slice %arg2[%dma_start3A_73, %dma_start3A_74] : memref<100000x192xf32, #tpu.memory_space<hbm>> -> memref<100000x192xf32, #tpu.memory_space<hbm>>
      tpu.enqueue_indirect_dma source(%dma_start3A_75 : memref<100000x192xf32, #tpu.memory_space<hbm>>) target(%arg23 : memref<8x192xf32, #tpu.memory_space<vmem>>) offsets(%dma_start3A_72 : memref<8xi32, #tpu.memory_space<vmem>>) semaphore(%arg37 : memref<!tpu.dma_semaphore, #tpu.memory_space<semaphore_mem>>)
      %dma_start3A_76 = tpu.memref_slice %arg11[%mul3A_55] : memref<256xi32, #tpu.memory_space<vmem>> -> memref<8xi32, #tpu.memory_space<vmem>>
      %dma_start3A_77 = arith.constant 0 : i32
      %dma_start3A_78 = arith.constant 0 : i32
      %dma_start3A_79 = tpu.memref_slice %arg3[%dma_start3A_77, %dma_start3A_78] : memref<100000x192xf32, #tpu.memory_space<hbm>> -> memref<100000x192xf32, #tpu.memory_space<hbm>>
      tpu.enqueue_indirect_dma source(%dma_start3A_79 : memref<100000x192xf32, #tpu.memory_space<hbm>>) target(%arg24 : memref<8x192xf32, #tpu.memory_space<vmem>>) offsets(%dma_start3A_76 : memref<8xi32, #tpu.memory_space<vmem>>) semaphore(%arg38 : memref<!tpu.dma_semaphore, #tpu.memory_space<semaphore_mem>>)
      %mul3A_80 = arith.constant 80 : i32
      %mul3A_81 = arith.muli %mul3A_47, %mul3A_80 : i32
      %mul3A_82 = arith.constant 24 : i32
      %mul3A_83 = arith.muli %mul3A_47, %mul3A_82 : i32
      %mul3A_84 = arith.constant 8 : i32
      %mul3A_85 = arith.muli %mul3A_47, %mul3A_84 : i32
      %dma_wait3A = tpu.memref_slice %arg10[%mul3A_81] : memref<2560xi32, #tpu.memory_space<vmem>> -> memref<80xi32, #tpu.memory_space<vmem>>
      %dma_wait3A_86 = arith.constant 0 : i32
      %dma_wait3A_87 = arith.constant 0 : i32
      %dma_wait3A_88 = tpu.memref_slice %arg3[%dma_wait3A_86, %dma_wait3A_87] : memref<100000x192xf32, #tpu.memory_space<hbm>> -> memref<100000x192xf32, #tpu.memory_space<hbm>>
      tpu.wait_indirect_dma semaphore(%arg27 : memref<!tpu.dma_semaphore, #tpu.memory_space<semaphore_mem>>) src(%dma_wait3A_88 : memref<100000x192xf32, #tpu.memory_space<hbm>>) dst(%arg14 : memref<80x192xf32, #tpu.memory_space<vmem>>)
      %dma_wait3A_89 = tpu.memref_slice %arg10[%mul3A_81] : memref<2560xi32, #tpu.memory_space<vmem>> -> memref<80xi32, #tpu.memory_space<vmem>>
      %dma_wait3A_90 = arith.constant 0 : i32
      %dma_wait3A_91 = arith.constant 0 : i32
      %dma_wait3A_92 = tpu.memref_slice %arg2[%dma_wait3A_90, %dma_wait3A_91] : memref<100000x192xf32, #tpu.memory_space<hbm>> -> memref<100000x192xf32, #tpu.memory_space<hbm>>
      tpu.wait_indirect_dma semaphore(%arg28 : memref<!tpu.dma_semaphore, #tpu.memory_space<semaphore_mem>>) src(%dma_wait3A_92 : memref<100000x192xf32, #tpu.memory_space<hbm>>) dst(%arg13 : memref<80x192xf32, #tpu.memory_space<vmem>>)
      %dma_wait3A_93 = tpu.memref_slice %arg10[%mul3A_81] : memref<2560xi32, #tpu.memory_space<vmem>> -> memref<80xi32, #tpu.memory_space<vmem>>
      %dma_wait3A_94 = arith.constant 0 : i32
      %dma_wait3A_95 = arith.constant 0 : i32
      %dma_wait3A_96 = tpu.memref_slice %arg4[%dma_wait3A_94, %dma_wait3A_95] : memref<100000x64xf32, #tpu.memory_space<hbm>> -> memref<100000x64xf32, #tpu.memory_space<hbm>>
      tpu.wait_indirect_dma semaphore(%arg29 : memref<!tpu.dma_semaphore, #tpu.memory_space<semaphore_mem>>) src(%dma_wait3A_96 : memref<100000x64xf32, #tpu.memory_space<hbm>>) dst(%arg15 : memref<80x64xf32, #tpu.memory_space<vmem>>)
      %dma_wait3A_97 = tpu.memref_slice %arg12[%mul3A_83] : memref<768xi32, #tpu.memory_space<vmem>> -> memref<24xi32, #tpu.memory_space<vmem>>
      %dma_wait3A_98 = arith.constant 0 : i32
      %dma_wait3A_99 = arith.constant 0 : i32
      %dma_wait3A_100 = tpu.memref_slice %arg4[%dma_wait3A_98, %dma_wait3A_99] : memref<100000x64xf32, #tpu.memory_space<hbm>> -> memref<100000x64xf32, #tpu.memory_space<hbm>>
      tpu.wait_indirect_dma semaphore(%arg30 : memref<!tpu.dma_semaphore, #tpu.memory_space<semaphore_mem>>) src(%dma_wait3A_100 : memref<100000x64xf32, #tpu.memory_space<hbm>>) dst(%arg16 : memref<24x64xf32, #tpu.memory_space<vmem>>)
      %dma_wait3A_101 = tpu.memref_slice %arg11[%mul3A_85] : memref<256xi32, #tpu.memory_space<vmem>> -> memref<8xi32, #tpu.memory_space<vmem>>
      %dma_wait3A_102 = arith.constant 0 : i32
      %dma_wait3A_103 = arith.constant 0 : i32
      %dma_wait3A_104 = tpu.memref_slice %arg2[%dma_wait3A_102, %dma_wait3A_103] : memref<100000x192xf32, #tpu.memory_space<hbm>> -> memref<100000x192xf32, #tpu.memory_space<hbm>>
      tpu.wait_indirect_dma semaphore(%arg31 : memref<!tpu.dma_semaphore, #tpu.memory_space<semaphore_mem>>) src(%dma_wait3A_104 : memref<100000x192xf32, #tpu.memory_space<hbm>>) dst(%arg17 : memref<8x192xf32, #tpu.memory_space<vmem>>)
      %dma_wait3A_105 = tpu.memref_slice %arg11[%mul3A_85] : memref<256xi32, #tpu.memory_space<vmem>> -> memref<8xi32, #tpu.memory_space<vmem>>
      %dma_wait3A_106 = arith.constant 0 : i32
      %dma_wait3A_107 = arith.constant 0 : i32
      %dma_wait3A_108 = tpu.memref_slice %arg3[%dma_wait3A_106, %dma_wait3A_107] : memref<100000x192xf32, #tpu.memory_space<hbm>> -> memref<100000x192xf32, #tpu.memory_space<hbm>>
      tpu.wait_indirect_dma semaphore(%arg32 : memref<!tpu.dma_semaphore, #tpu.memory_space<semaphore_mem>>) src(%dma_wait3A_108 : memref<100000x192xf32, #tpu.memory_space<hbm>>) dst(%arg18 : memref<8x192xf32, #tpu.memory_space<vmem>>)
      %add3A_109 = arith.constant 2 : i32
      %add3A_110 = arith.addi %mul3A_47, %add3A_109 : i32
      %lt3A = arith.constant 32 : i32
      %lt3A_111 = arith.cmpi slt, %add3A_110, %lt3A : i32
      %convert_element_type3A = arith.extui %lt3A_111 : i1 to i32
      %cond3A = arith.constant 0 : i32
      %cond3A_112 = arith.cmpi ne, %convert_element_type3A, %cond3A : i32
      scf.if %cond3A_112 {
        %add3A_145 = arith.constant 2 : i32
        %add3A_146 = arith.addi %mul3A_47, %add3A_145 : i32
        %mul3A_147 = arith.constant 80 : i32
        %mul3A_148 = arith.muli %add3A_146, %mul3A_147 : i32
        %mul3A_149 = arith.constant 24 : i32
        %mul3A_150 = arith.muli %add3A_146, %mul3A_149 : i32
        %mul3A_151 = arith.constant 8 : i32
        %mul3A_152 = arith.muli %add3A_146, %mul3A_151 : i32
        %dma_start3A_153 = tpu.memref_slice %arg10[%mul3A_148] : memref<2560xi32, #tpu.memory_space<vmem>> -> memref<80xi32, #tpu.memory_space<vmem>>
        %dma_start3A_154 = arith.constant 0 : i32
        %dma_start3A_155 = arith.constant 0 : i32
        %dma_start3A_156 = tpu.memref_slice %arg3[%dma_start3A_154, %dma_start3A_155] : memref<100000x192xf32, #tpu.memory_space<hbm>> -> memref<100000x192xf32, #tpu.memory_space<hbm>>
        tpu.enqueue_indirect_dma source(%dma_start3A_156 : memref<100000x192xf32, #tpu.memory_space<hbm>>) target(%arg14 : memref<80x192xf32, #tpu.memory_space<vmem>>) offsets(%dma_start3A_153 : memref<80xi32, #tpu.memory_space<vmem>>) semaphore(%arg27 : memref<!tpu.dma_semaphore, #tpu.memory_space<semaphore_mem>>)
        %dma_start3A_157 = tpu.memref_slice %arg10[%mul3A_148] : memref<2560xi32, #tpu.memory_space<vmem>> -> memref<80xi32, #tpu.memory_space<vmem>>
        %dma_start3A_158 = arith.constant 0 : i32
        %dma_start3A_159 = arith.constant 0 : i32
        %dma_start3A_160 = tpu.memref_slice %arg2[%dma_start3A_158, %dma_start3A_159] : memref<100000x192xf32, #tpu.memory_space<hbm>> -> memref<100000x192xf32, #tpu.memory_space<hbm>>
        tpu.enqueue_indirect_dma source(%dma_start3A_160 : memref<100000x192xf32, #tpu.memory_space<hbm>>) target(%arg13 : memref<80x192xf32, #tpu.memory_space<vmem>>) offsets(%dma_start3A_157 : memref<80xi32, #tpu.memory_space<vmem>>) semaphore(%arg28 : memref<!tpu.dma_semaphore, #tpu.memory_space<semaphore_mem>>)
        %dma_start3A_161 = tpu.memref_slice %arg10[%mul3A_148] : memref<2560xi32, #tpu.memory_space<vmem>> -> memref<80xi32, #tpu.memory_space<vmem>>
        %dma_start3A_162 = arith.constant 0 : i32
        %dma_start3A_163 = arith.constant 0 : i32
        %dma_start3A_164 = tpu.memref_slice %arg4[%dma_start3A_162, %dma_start3A_163] : memref<100000x64xf32, #tpu.memory_space<hbm>> -> memref<100000x64xf32, #tpu.memory_space<hbm>>
        tpu.enqueue_indirect_dma source(%dma_start3A_164 : memref<100000x64xf32, #tpu.memory_space<hbm>>) target(%arg15 : memref<80x64xf32, #tpu.memory_space<vmem>>) offsets(%dma_start3A_161 : memref<80xi32, #tpu.memory_space<vmem>>) semaphore(%arg29 : memref<!tpu.dma_semaphore, #tpu.memory_space<semaphore_mem>>)
        %dma_start3A_165 = tpu.memref_slice %arg12[%mul3A_150] : memref<768xi32, #tpu.memory_space<vmem>> -> memref<24xi32, #tpu.memory_space<vmem>>
        %dma_start3A_166 = arith.constant 0 : i32
        %dma_start3A_167 = arith.constant 0 : i32
        %dma_start3A_168 = tpu.memref_slice %arg4[%dma_start3A_166, %dma_start3A_167] : memref<100000x64xf32, #tpu.memory_space<hbm>> -> memref<100000x64xf32, #tpu.memory_space<hbm>>
        tpu.enqueue_indirect_dma source(%dma_start3A_168 : memref<100000x64xf32, #tpu.memory_space<hbm>>) target(%arg16 : memref<24x64xf32, #tpu.memory_space<vmem>>) offsets(%dma_start3A_165 : memref<24xi32, #tpu.memory_space<vmem>>) semaphore(%arg30 : memref<!tpu.dma_semaphore, #tpu.memory_space<semaphore_mem>>)
        %dma_start3A_169 = tpu.memref_slice %arg11[%mul3A_152] : memref<256xi32, #tpu.memory_space<vmem>> -> memref<8xi32, #tpu.memory_space<vmem>>
        %dma_start3A_170 = arith.constant 0 : i32
        %dma_start3A_171 = arith.constant 0 : i32
        %dma_start3A_172 = tpu.memref_slice %arg2[%dma_start3A_170, %dma_start3A_171] : memref<100000x192xf32, #tpu.memory_space<hbm>> -> memref<100000x192xf32, #tpu.memory_space<hbm>>
        tpu.enqueue_indirect_dma source(%dma_start3A_172 : memref<100000x192xf32, #tpu.memory_space<hbm>>) target(%arg17 : memref<8x192xf32, #tpu.memory_space<vmem>>) offsets(%dma_start3A_169 : memref<8xi32, #tpu.memory_space<vmem>>) semaphore(%arg31 : memref<!tpu.dma_semaphore, #tpu.memory_space<semaphore_mem>>)
        %dma_start3A_173 = tpu.memref_slice %arg11[%mul3A_152] : memref<256xi32, #tpu.memory_space<vmem>> -> memref<8xi32, #tpu.memory_space<vmem>>
        %dma_start3A_174 = arith.constant 0 : i32
        %dma_start3A_175 = arith.constant 0 : i32
        %dma_start3A_176 = tpu.memref_slice %arg3[%dma_start3A_174, %dma_start3A_175] : memref<100000x192xf32, #tpu.memory_space<hbm>> -> memref<100000x192xf32, #tpu.memory_space<hbm>>
        tpu.enqueue_indirect_dma source(%dma_start3A_176 : memref<100000x192xf32, #tpu.memory_space<hbm>>) target(%arg18 : memref<8x192xf32, #tpu.memory_space<vmem>>) offsets(%dma_start3A_173 : memref<8xi32, #tpu.memory_space<vmem>>) semaphore(%arg32 : memref<!tpu.dma_semaphore, #tpu.memory_space<semaphore_mem>>)
      } else {
      }
      %add3A_113 = arith.constant 1 : i32
      %add3A_114 = arith.addi %mul3A_47, %add3A_113 : i32
      %mul3A_115 = arith.constant 80 : i32
      %mul3A_116 = arith.muli %add3A_114, %mul3A_115 : i32
      %mul3A_117 = arith.constant 24 : i32
      %mul3A_118 = arith.muli %add3A_114, %mul3A_117 : i32
      %mul3A_119 = arith.constant 8 : i32
      %mul3A_120 = arith.muli %add3A_114, %mul3A_119 : i32
      %dma_wait3A_121 = tpu.memref_slice %arg10[%mul3A_116] : memref<2560xi32, #tpu.memory_space<vmem>> -> memref<80xi32, #tpu.memory_space<vmem>>
      %dma_wait3A_122 = arith.constant 0 : i32
      %dma_wait3A_123 = arith.constant 0 : i32
      %dma_wait3A_124 = tpu.memref_slice %arg3[%dma_wait3A_122, %dma_wait3A_123] : memref<100000x192xf32, #tpu.memory_space<hbm>> -> memref<100000x192xf32, #tpu.memory_space<hbm>>
      tpu.wait_indirect_dma semaphore(%arg33 : memref<!tpu.dma_semaphore, #tpu.memory_space<semaphore_mem>>) src(%dma_wait3A_124 : memref<100000x192xf32, #tpu.memory_space<hbm>>) dst(%arg20 : memref<80x192xf32, #tpu.memory_space<vmem>>)
      %dma_wait3A_125 = tpu.memref_slice %arg10[%mul3A_116] : memref<2560xi32, #tpu.memory_space<vmem>> -> memref<80xi32, #tpu.memory_space<vmem>>
      %dma_wait3A_126 = arith.constant 0 : i32
      %dma_wait3A_127 = arith.constant 0 : i32
      %dma_wait3A_128 = tpu.memref_slice %arg2[%dma_wait3A_126, %dma_wait3A_127] : memref<100000x192xf32, #tpu.memory_space<hbm>> -> memref<100000x192xf32, #tpu.memory_space<hbm>>
      tpu.wait_indirect_dma semaphore(%arg34 : memref<!tpu.dma_semaphore, #tpu.memory_space<semaphore_mem>>) src(%dma_wait3A_128 : memref<100000x192xf32, #tpu.memory_space<hbm>>) dst(%arg19 : memref<80x192xf32, #tpu.memory_space<vmem>>)
      %dma_wait3A_129 = tpu.memref_slice %arg10[%mul3A_116] : memref<2560xi32, #tpu.memory_space<vmem>> -> memref<80xi32, #tpu.memory_space<vmem>>
      %dma_wait3A_130 = arith.constant 0 : i32
      %dma_wait3A_131 = arith.constant 0 : i32
      %dma_wait3A_132 = tpu.memref_slice %arg4[%dma_wait3A_130, %dma_wait3A_131] : memref<100000x64xf32, #tpu.memory_space<hbm>> -> memref<100000x64xf32, #tpu.memory_space<hbm>>
      tpu.wait_indirect_dma semaphore(%arg35 : memref<!tpu.dma_semaphore, #tpu.memory_space<semaphore_mem>>) src(%dma_wait3A_132 : memref<100000x64xf32, #tpu.memory_space<hbm>>) dst(%arg21 : memref<80x64xf32, #tpu.memory_space<vmem>>)
      %dma_wait3A_133 = tpu.memref_slice %arg12[%mul3A_118] : memref<768xi32, #tpu.memory_space<vmem>> -> memref<24xi32, #tpu.memory_space<vmem>>
      %dma_wait3A_134 = arith.constant 0 : i32
      %dma_wait3A_135 = arith.constant 0 : i32
      %dma_wait3A_136 = tpu.memref_slice %arg4[%dma_wait3A_134, %dma_wait3A_135] : memref<100000x64xf32, #tpu.memory_space<hbm>> -> memref<100000x64xf32, #tpu.memory_space<hbm>>
      tpu.wait_indirect_dma semaphore(%arg36 : memref<!tpu.dma_semaphore, #tpu.memory_space<semaphore_mem>>) src(%dma_wait3A_136 : memref<100000x64xf32, #tpu.memory_space<hbm>>) dst(%arg22 : memref<24x64xf32, #tpu.memory_space<vmem>>)
      %dma_wait3A_137 = tpu.memref_slice %arg11[%mul3A_120] : memref<256xi32, #tpu.memory_space<vmem>> -> memref<8xi32, #tpu.memory_space<vmem>>
      %dma_wait3A_138 = arith.constant 0 : i32
      %dma_wait3A_139 = arith.constant 0 : i32
      %dma_wait3A_140 = tpu.memref_slice %arg2[%dma_wait3A_138, %dma_wait3A_139] : memref<100000x192xf32, #tpu.memory_space<hbm>> -> memref<100000x192xf32, #tpu.memory_space<hbm>>
      tpu.wait_indirect_dma semaphore(%arg37 : memref<!tpu.dma_semaphore, #tpu.memory_space<semaphore_mem>>) src(%dma_wait3A_140 : memref<100000x192xf32, #tpu.memory_space<hbm>>) dst(%arg23 : memref<8x192xf32, #tpu.memory_space<vmem>>)
      %dma_wait3A_141 = tpu.memref_slice %arg11[%mul3A_120] : memref<256xi32, #tpu.memory_space<vmem>> -> memref<8xi32, #tpu.memory_space<vmem>>
      %dma_wait3A_142 = arith.constant 0 : i32
      %dma_wait3A_143 = arith.constant 0 : i32
      %dma_wait3A_144 = tpu.memref_slice %arg3[%dma_wait3A_142, %dma_wait3A_143] : memref<100000x192xf32, #tpu.memory_space<hbm>> -> memref<100000x192xf32, #tpu.memory_space<hbm>>
      tpu.wait_indirect_dma semaphore(%arg38 : memref<!tpu.dma_semaphore, #tpu.memory_space<semaphore_mem>>) src(%dma_wait3A_144 : memref<100000x192xf32, #tpu.memory_space<hbm>>) dst(%arg24 : memref<8x192xf32, #tpu.memory_space<vmem>>)
    }
    %scan3A_40 = arith.constant 16 : i32
    %mul3A_41 = arith.constant 2560 : i32
    %mul3A_42 = arith.muli %add3A, %mul3A_41 : i32
    "tpu.region"() ({
      %run_scoped3A = tpu.sem_alloc : memref<!tpu.dma_semaphore, #tpu.memory_space<semaphore_mem>>
      %dma_start3A_45 = tpu.memref_slice %arg8[%mul3A_42] : memref<81920xf32, #tpu.memory_space<hbm>> -> memref<2560xf32, #tpu.memory_space<hbm>>
      %dma_start3A_46 = tpu.memref_slice %arg8[%mul3A_42] : memref<81920xf32, #tpu.memory_space<hbm>> -> memref<2560xf32, #tpu.memory_space<hbm>>
      tpu.enqueue_dma source(%arg25 : memref<2560xf32, #tpu.memory_space<vmem>>) target(%dma_start3A_46 : memref<2560xf32, #tpu.memory_space<hbm>>) target_semaphore(%run_scoped3A : memref<!tpu.dma_semaphore, #tpu.memory_space<semaphore_mem>>)
      %dma_wait3A = tpu.memref_slice %arg8[%mul3A_42] : memref<81920xf32, #tpu.memory_space<hbm>> -> memref<2560xf32, #tpu.memory_space<hbm>>
      %dma_wait3A_47 = tpu.memref_slice %arg8[%mul3A_42] : memref<81920xf32, #tpu.memory_space<hbm>> -> memref<2560xf32, #tpu.memory_space<hbm>>
      tpu.wait_dma2 semaphore(%run_scoped3A : memref<!tpu.dma_semaphore, #tpu.memory_space<semaphore_mem>>) src(%arg25 : memref<2560xf32, #tpu.memory_space<vmem>>) dst(%dma_wait3A_47 : memref<2560xf32, #tpu.memory_space<hbm>>)
      tpu.yield
    }) : () -> ()
    %mul3A_43 = arith.constant 640 : i32
    %mul3A_44 = arith.muli %add3A, %mul3A_43 : i32
    "tpu.region"() ({
      %run_scoped3A = tpu.sem_alloc : memref<!tpu.dma_semaphore, #tpu.memory_space<semaphore_mem>>
      %dma_start3A_45 = tpu.memref_slice %arg9[%mul3A_44] : memref<20480xf32, #tpu.memory_space<hbm>> -> memref<640xf32, #tpu.memory_space<hbm>>
      %dma_start3A_46 = tpu.memref_slice %arg9[%mul3A_44] : memref<20480xf32, #tpu.memory_space<hbm>> -> memref<640xf32, #tpu.memory_space<hbm>>
      tpu.enqueue_dma source(%arg26 : memref<640xf32, #tpu.memory_space<vmem>>) target(%dma_start3A_46 : memref<640xf32, #tpu.memory_space<hbm>>) target_semaphore(%run_scoped3A : memref<!tpu.dma_semaphore, #tpu.memory_space<semaphore_mem>>)
      %dma_wait3A = tpu.memref_slice %arg9[%mul3A_44] : memref<20480xf32, #tpu.memory_space<hbm>> -> memref<640xf32, #tpu.memory_space<hbm>>
      %dma_wait3A_47 = tpu.memref_slice %arg9[%mul3A_44] : memref<20480xf32, #tpu.memory_space<hbm>> -> memref<640xf32, #tpu.memory_space<hbm>>
      tpu.wait_dma2 semaphore(%run_scoped3A : memref<!tpu.dma_semaphore, #tpu.memory_space<semaphore_mem>>) src(%arg26 : memref<640xf32, #tpu.memory_space<vmem>>) dst(%dma_wait3A_47 : memref<640xf32, #tpu.memory_space<hbm>>)
      tpu.yield
    }) : () -> ()
    return
  }
}

module attributes {stable_mosaic.version = 14 : i64} {
  func.func @_loss_body(%arg0: memref<4096x20xf32, #tpu.memory_space<vmem>>, %arg1: memref<4096x5xf32, #tpu.memory_space<vmem>>, %arg2: memref<1x1xf32, #tpu.memory_space<smem>>) attributes {dimension_semantics = [], scalar_prefetch = 0 : i64, scratch_operands = 0 : i64, tpu.core_type = #tpu.core_type<tc>} {
    %get3A = arith.constant 0 : index
    %get3A_0 = arith.constant 0 : index
    %get3A_1 = vector.load %arg0[%get3A, %get3A_0] : memref<4096x20xf32, #tpu.memory_space<vmem>>, vector<4096x20xf32>
    %get3A_2 = arith.constant 0 : index
    %get3A_3 = arith.constant 0 : index
    %get3A_4 = vector.load %arg1[%get3A_2, %get3A_3] : memref<4096x5xf32, #tpu.memory_space<vmem>>, vector<4096x5xf32>
    %max3A = arith.constant 1.17549435E-38 : f32
    %max3A_5 = vector.broadcast %max3A : f32 to vector<4096x20xf32>
    %max3A_6 = arith.maximumf %get3A_1, %max3A_5 : vector<4096x20xf32>
    %log3A = math.log %max3A_6 : vector<4096x20xf32>
    %reduce_sum3A = vector.shape_cast %log3A : vector<4096x20xf32> to vector<1x4096x20xf32>
    %reduce_sum3A_7 = arith.constant dense<0.000000e+00> : vector<1xf32>
    %reduce_sum3A_8 = vector.multi_reduction <add>, %reduce_sum3A, %reduce_sum3A_7 [1, 2] : vector<1x4096x20xf32> to vector<1xf32>
    %reduce_sum3A_9 = vector.shape_cast %reduce_sum3A_8 : vector<1xf32> to vector<1x1x1xf32>
    %reduce_sum3A_10 = vector.extract %reduce_sum3A_9[0, 0, 0] : f32 from vector<1x1x1xf32>
    %neg3A = arith.constant 0.000000e+00 : f32
    %neg3A_11 = arith.subf %neg3A, %reduce_sum3A_10 : f32
    %sub3A = arith.constant 1.000000e+00 : f32
    %sub3A_12 = vector.broadcast %sub3A : f32 to vector<4096x5xf32>
    %sub3A_13 = arith.subf %sub3A_12, %get3A_4 : vector<4096x5xf32>
    %max3A_14 = arith.constant 1.17549435E-38 : f32
    %max3A_15 = vector.broadcast %max3A_14 : f32 to vector<4096x5xf32>
    %max3A_16 = arith.maximumf %sub3A_13, %max3A_15 : vector<4096x5xf32>
    %log3A_17 = math.log %max3A_16 : vector<4096x5xf32>
    %reduce_sum3A_18 = vector.shape_cast %log3A_17 : vector<4096x5xf32> to vector<1x4096x5xf32>
    %reduce_sum3A_19 = arith.constant dense<0.000000e+00> : vector<1xf32>
    %reduce_sum3A_20 = vector.multi_reduction <add>, %reduce_sum3A_18, %reduce_sum3A_19 [1, 2] : vector<1x4096x5xf32> to vector<1xf32>
    %reduce_sum3A_21 = vector.shape_cast %reduce_sum3A_20 : vector<1xf32> to vector<1x1x1xf32>
    %reduce_sum3A_22 = vector.extract %reduce_sum3A_21[0, 0, 0] : f32 from vector<1x1x1xf32>
    %sub3A_23 = arith.subf %neg3A_11, %reduce_sum3A_22 : f32
    %mul3A = arith.constant 1.22070314E-5 : f32
    %mul3A_24 = arith.mulf %sub3A_23, %mul3A : f32
    %swap3A = arith.constant 0 : index
    %swap3A_25 = arith.constant 0 : index
    %swap3A_26 = memref.load %arg2[%swap3A, %swap3A_25] : memref<1x1xf32, #tpu.memory_space<smem>>
    memref.store %mul3A_24, %arg2[%swap3A, %swap3A_25] : memref<1x1xf32, #tpu.memory_space<smem>>
    return
  }
}

</mosaic_0001>

<sc_bundles>
// kernel: kernel.4.cloned.1.call-start
scs
__scs_entry_jumppad:
0x0: {  	(pc) =	sbr.rel $0x88, $3  }
0x1: {  	(tag) =	ssettag $0x0;
	lr =	simm.s32 $0x1  }
0x2: {  	[smem:$0x3F9B] =	sst lr;
	_ =	strace $0xD0000000  }
0x3: {  	_ = 	snop  }
0x4: {  	_ = 	snop  }
0x5: {  	_ = 	snop  }
0x6: {  	_ = 	snop  }
0x7: {  	_ = 	snop  }
__scs_overlays_trampoline_lowered:
0x8: {  	[smem:$0x3FAA] =	sst s0  }
0x9: {  	[smem:$0x3FAB] =	sst s1  }
0xa: {  	[smem:$0x3FAC] =	sst s2  }
0xb: {  	[smem:$0x3FAD] =	sst s3  }
0xc: {  	[smem:$0x3FAE] =	sst s4  }
0xd: {  	[smem:$0x3FAF] =	sst s5  }
0xe: {  	[smem:$0x3FB0] =	sst s6  }
0xf: {  	[smem:$0x3FB1] =	sst s7  }
0x10: {  	[smem:$0x3FB2] =	sst s8  }
0x11: {  	[smem:$0x3FB3] =	sst s9;
	s0 =	simm.s32 @!p0 $0x0  }
0x12: {  	s1 =	sld [smem:$0x3F99];
	s0 =	simm.s32 @p0 $0x1  }
0x13: {  	[smem:$0x3FB4] =	sst s0;
	s0 =	simm.s32 @!p1 $0x0  }
0x14: {  	s2 =	sld [smem:$0x3F98];
	s0 =	simm.s32 @p1 $0x1  }
0x15: {  	[smem:$0x3FB5] =	sst s0;
	s0 =	simm.s32 @!p2 $0x0  }
0x16: {  	s3 =	sld [smem:$0x3FDB];
	s0 =	simm.s32 @p2 $0x1  }
0x17: {  	s4 =	simm.s32 $0x1BF5;
	[smem:$0x3FB7] =	sst s0  }
0x18: {  	s0 =	sld [smem:$0x3F9A];
	_ =	swait.ge [sflag:s4], $0x0  }
0x19: {  	s7 =	sld [smem:$0x3F9B]  }
0x1a: {  	s8 =	sadd.s32 $0xFFFFE003, lr  }
0x1b: {  	s9 =	sadd.s32 $0xFFFFFEF7, lr;
	s5 =	simm.s32 $0xFFFFFFFF;
	p2 =	slt.u32 s8, $0xFFFFF086  }
0x1c: {  	p1 =	slt.u32 s9, $0xF7A;
	s5 =	simm.s32 @!p2 $0x0  }
0x1d: {  	s5 =	simm.s32 @p1 $0x1;
	p0 =	seq.s32 s7, s2  }
0x1e: {  	s7 =	smul.u32 @!p0 $0xF7A, s2;
	p2 =	seq.s32 @!p0 s5, $0x0  }
0x1f: {  	s9 =	smul.u32 $0xF7A, s1;
	s8 =	simm.s32 @!p0 $0x1BF5;
	p2 =	por !p2, p0  }
0x20: {  	[sflag:s8] =	ssyncset.s32 @!p0 $0xFFFFF086;
	s6 =	sadd.s32 @!p0 s3, s7;
	s7 =	simm.s32 @!p0 $0x108  }
0x21: {  	s3 =	sadd.s32 s3, s9;
	s6 =	sadd.s32 @!p0 $0x88, s6;
	s7 =	simm.s32 @p2 $0x1082  }
0x22: {  	[simem:s7], [sflag:s8] =	dma.local @!p0 [hbm:s6], $0xF7A  }
0x23: {  	s9 =	sor.u32 $0xD0000000, s2;
	s6 =	simm.s32 $0x108;
	_ =	swait.ge @!p0 [sflag:s8], $0x0  }
0x24: {  	s3 =	sadd.s32 $0x88, s3;
	s6 =	simm.s32 @!p1 $0x1082;
	[sflag:s4] =	ssyncset.s32 $0xFFFFF086  }
0x25: {  	[simem:s6], [sflag:s4] =	dma.local [hbm:s3], $0xF7A  }
0x26: {  	[smem:$0x3F9B] =	sst s1;
	(tag) =	ssettag s2;
	_ =	strace s9  }
0x27: {  	s1 =	sld [smem:$0x3FAB]  }
0x28: {  	s2 =	sld [smem:$0x3FAC]  }
0x29: {  	s4 =	sld [smem:$0x3FAE]  }
0x2a: {  	p0 =	seq.s32 s5, $0x0;
	s5 =	sld [smem:$0x3FAF]  }
0x2b: {  	s6 =	sld [smem:$0x3FB0]  }
0x2c: {  	s7 =	sld [smem:$0x3FB1]  }
0x2d: {  	s3 =	simm.s32 $0x108;
	s8 =	sld [smem:$0x3FB2]  }
0x2e: {  	s3 =	simm.s32 @!p0 $0x1082;
	s9 =	sld [smem:$0x3FB3]  }
0x2f: {  	lr =	sadd.s32 s0, s3;
	s0 =	sld [smem:$0x3FAA]  }
0x30: {  	s3 =	sld [smem:$0x3FAD]  }
0x31: {  	[smem:$0x3FB6] =	sst s10  }
0x32: {  	s10 =	sld [smem:$0x3FB4];
	_ =	sdelay $0x3  }
0x33: {  	p0 =	seq.s32 s10, $0x1;
	s10 =	sld [smem:$0x3FB6];
	_ =	sdelay $0x3  }
0x34: {  	[smem:$0x3FB6] =	sst s10  }
0x35: {  	s10 =	sld [smem:$0x3FB5];
	_ =	sdelay $0x3  }
0x36: {  	p1 =	seq.s32 s10, $0x1;
	s10 =	sld [smem:$0x3FB6];
	_ =	sdelay $0x3  }
0x37: {  	[smem:$0x3FB6] =	sst s10  }
0x38: {  	s10 =	sld [smem:$0x3FB7]  }
0x39: {  	_ = 	snop;
	(pc) =	sbr.ind lr, $3  }
0x3a: {  	_ = 	snop  }
0x3b: {  	_ = 	snop  }
0x3c: {  	p2 =	seq.s32 s10, $0x1;
	s10 =	sld [smem:$0x3FB6]  }
0x3d: {  	_ =	shalt  }
0x3e: {  	_ =	shalt  }
0x3f: {  	_ =	shalt  }
0x40: {  	_ =	shalt  }
0x41: {  	_ =	shalt  }
0x42: {  	_ =	shalt  }
0x43: {  	_ =	shalt  }
0x44: {  	_ =	shalt  }
0x45: {  	_ =	shalt  }
0x46: {  	_ =	shalt  }
0x47: {  	_ =	shalt  }
0x48: {  	_ =	shalt  }
0x49: {  	_ =	shalt  }
0x4a: {  	_ =	shalt  }
0x4b: {  	_ =	shalt  }
0x4c: {  	_ =	shalt  }
0x4d: {  	_ =	shalt  }
0x4e: {  	_ =	shalt  }
0x4f: {  	_ =	shalt  }
0x50: {  	_ =	shalt  }
0x51: {  	_ =	shalt  }
0x52: {  	_ =	shalt  }
0x53: {  	_ =	shalt  }
0x54: {  	_ =	shalt  }
0x55: {  	_ =	shalt  }
0x56: {  	_ =	shalt  }
0x57: {  	_ =	shalt  }
0x58: {  	_ =	shalt  }
0x59: {  	_ =	shalt  }
0x5a: {  	_ =	shalt  }
0x5b: {  	_ =	shalt  }
0x5c: {  	_ =	shalt  }
0x5d: {  	_ =	shalt  }
0x5e: {  	_ =	shalt  }
0x5f: {  	_ =	shalt  }
0x60: {  	_ =	shalt  }
0x61: {  	_ =	shalt  }
0x62: {  	_ =	shalt  }
0x63: {  	_ =	shalt  }
0x64: {  	_ =	shalt  }
0x65: {  	_ =	shalt  }
0x66: {  	_ =	shalt  }
0x67: {  	_ =	shalt  }
0x68: {  	_ =	shalt  }
0x69: {  	_ =	shalt  }
0x6a: {  	_ =	shalt  }
0x6b: {  	_ =	shalt  }
0x6c: {  	_ =	shalt  }
0x6d: {  	_ =	shalt  }
0x6e: {  	_ =	shalt  }
0x6f: {  	_ =	shalt  }
0x70: {  	_ =	shalt  }
0x71: {  	_ =	shalt  }
0x72: {  	_ =	shalt  }
0x73: {  	_ =	shalt  }
0x74: {  	_ =	shalt  }
0x75: {  	_ =	shalt  }
0x76: {  	_ =	shalt  }
0x77: {  	_ =	shalt  }
0x78: {  	_ =	shalt  }
0x79: {  	_ =	shalt  }
0x7a: {  	_ =	shalt  }
0x7b: {  	_ =	shalt  }
0x7c: {  	_ =	shalt  }
0x7d: {  	_ =	shalt  }
0x7e: {  	_ =	shalt  }
0x7f: {  	_ =	shalt  }
0x80: {  	_ =	shalt  }
0x81: {  	_ =	shalt  }
0x82: {  	_ =	shalt  }
0x83: {  	_ =	shalt  }
0x84: {  	_ =	shalt  }
0x85: {  	_ =	shalt  }
0x86: {  	_ =	shalt  }
0x87: {  	_ =	shalt  }
.Lfunc_end0:
.L_simem_size_0:
called_computation_lowered:
.L_overlay_start_0:
0x88: {  	s2 =	sld [smem:$0x3FD9]  }
0x89: {  	s3 =	sld [smem:$0x3FFE];
	_ =	sdelay $0x1  }
0x8a: {  	s1 =	srdreg.scid  }
0x8b: {  	s0 =	sand.u32 $0x1, s1  }
0x8c: {  	s16 =	sshll.u32 s0, $0xA;
	s2 =	sadd.s32 s3, s2  }
0x8d: {  	s2 =	sadd.s32 s2, s16  }
0x8e: {  	[smem:$0x3FC2] =	sst s2  }
0x8f: {  	_ = 	snop  }
0x90: {  	(tm) =	ssettm $0x1  }
0x91: {  	s17 =	sld [smem:$0x3FFB];
	_ =	sdelay $0x3  }
0x92: {  	_ =	strace s17  }
0x93: {  	s2 =	sld [smem:$0x3FFC];
	_ =	sdelay $0x3  }
0x94: {  	_ =	strace s2  }
0x95: {  	s2 =	sld [smem:$0x3FFD];
	_ =	sdelay $0x3  }
0x96: {  	_ =	strace s2  }
0x97: {  	_ =	strace $0x8FFFFFFF  }
0x98: {  	s18 =	sld [smem:$0x3FDB];
	_ =	sdelay $0x1  }
0x99: {  	s19 =	simm.s32 $_scs_section_size  }
0x9a: {  	s4 =	simm.s32 $_size__tile_overlayer_lowered;
	s5 =	simm.s32 $_tile_overlayer_lowered  }
0x9b: {  	s22 =	simm.s32 $0x1BFF;
	s21 =	sshll.u32 s5, $0x1;
	s2 =	sadd.s32 s19, s18  }
0x9c: {  	s6 =	simm.s32 $0x0;
	s20 =	sshll.u32 s4, $0x1;
	s4 =	sadd.s32 s21, s2  }
0x9d: {  	[timem:s6], [sflag:s22] =	dma.local [hbm:s4], s20  }
0x9e: {  	_ =	swait.ge [sflag:s22], s20  }
0x9f: {  	s3 =	ssub.s32 $0x0, s20;
	[sflag:s22] =	ssyncset.done $0x0  }
0xa0: {  	[sflag:s22] =	ssyncadd.s32 s3;
	_ =	sdelay $0x1  }
0xa1: {  	s23 =	simm.s32 $0x1B8B  }
0xa2: {  	_ =	swait.ge [sflag:s23], $0x1  }
0xa3: {  	[sflag:s23] =	ssyncset.done $0x0  }
0xa4: {  	s25 =	simm.s32 $0x1B8E;
	s24 =	sld [smem:$0x3FFE];
	[sflag:s23] =	ssyncadd.s32 $0xFFFFFFFF  }
0xa5: {  	s26 =	simm.s32 $execute0_lowered;
	[smem:$0x3FD2] =	sst s25  }
0xa6: {  	s4 =	sshll.u32 s26, $0x1;
	_ =	strace $0x80000046;
	[dreg:$0x1] =	wrdreg $0xFFFFFFFF  }
0xa7: {  	s28 =	simm.s32 $_size_execute0_lowered;
	s2 =	sadd.s32 s2, s4;
	[dreg:$0x0] =	wrdreg $0x0  }
0xa8: {  	s4 =	sshll.u32 s28, $0x1;
	[dreg:$0x2] =	wrdreg s2  }
0xa9: {  	[dreg:$0x3] =	wrdreg s4  }
0xaa: {  	[dreg:$0x4] =	wrdreg $0xC0  }
0xab: {  	_ =	task [dreg:s6], $0x5FFFF  }
0xac: {  	[dreg:$0x1] =	wrdreg $0xFFFFFFFF  }
0xad: {  	[dreg:$0x0] =	wrdreg $0x60  }
0xae: {  	[dreg:$0x2] =	wrdreg s24  }
0xaf: {  	[dreg:$0x3] =	wrdreg $0x9  }
0xb0: {  	_ =	task.clear_ibuf [dreg:s6], $0x4FFFF;
	_ =	strace $0x90000046  }
0xb1: {  	s29 =	simm.s32 $0x9;
	_ =	strace $0x80000048  }
0xb2: {  	_ =	swait.ge [sflag:s29], $0x1  }
0xb3: {  	[sflag:s29] =	ssyncadd.s32 $0xFFFFFFFF  }
0xb4: {  	_ =	strace $0x90000048  }
0xb5: {  	_ =	sfence  }
0xb6: {  	s30 =	sld [smem:$0x0];
	_ =	sdelay $0x2  }
0xb7: {  	s31 =	sshll.u32 s1, $0xD;
	s1 =	sshrl.u32 s1, $0x2  }
0xb8: {  	s3 =	sand.u32 $0x4000, s31;
	s1 =	sadd.s32 s1, s30  }
0xb9: {  	s0 =	sor.u32 s3, s0;
	s1 =	sshll.u32 s1, $0x11  }
0xba: {  	s0 =	sor.u32 s1, s0  }
0xbb: {  	s0 =	sadd.s32 $0x8F2B, s0  }
0xbc: {  	[sflag:s0] =	ssyncadd.remote.s32 $0x1  }
0xbd: {  	_ =	sfence.sel $0xFFFF  }
0xbe: {  	[dreg:$0x0] =	wrdreg $0xFFFFFFFF;
	(pc) =	sbr.abs _section_cstart, $3  }
0xbf: {  	[dreg:$0x1] =	wrdreg $0xFFFFFFFF  }
0xc0: {  	_ =	task.clear_ibuf [dreg:s6], $0x2FFFF;
	_ =	strace $0x9FFFFFFF  }
0xc1: {  	(tm) =	ssettm $0x7FFFFFFF  }
tec
execute0_lowered:
.L_overlay_start_1:
0x0: {  	(tag) =	ssettag $0x1  }
0x1: {  	s0 =	rddreg [dreg:$0x0]  }
0x2: {  	s1 =	srdreg.scid;
	s2 =	stileid.u32  }
0x3: {  	s12 =	simm.s32 $0x0;
	s15 =	simm.s32 $0xD;
	s18 =	simm.s32 $0x18  }
0x4: {  	s20 =	simm.s32 $0x8;
	s28 =	simm.s32 $0x13800;
	s29 =	simm.s32 $0x13E00  }
0x5: {  	s30 =	simm.s32 $0x14400;
	s31 =	simm.s32 $0x1;
	s9 =	simm.s32 $0x7  }
0x6: {  	s14 =	simm.s32 $0x9;
	s10 =	simm.s32 $0xA;
	s11 =	simm.s32 $0xB  }
0x7: {  	s13 =	simm.s32 $0xC;
	s16 =	simm.s32 $0x0;
	s19 =	simm.s32 $0x4A00  }
0x8: {  	s1 =	sand.u32 $0x1, s1;
	s2 =	sshll.u32 s2, $0x1;
	[smem:$0x7FF] =	sst s12  }
0x9: {  	s3 =	sadd.s32 $0x6E0800, s0;
	s4 =	sadd.s32 $0x496800, s0;
	s2 =	sor.u32 s1, s2  }
0xa: {  	s5 =	sadd.s32 $0x189400, s0;
	_ =	strace $0x80000047;
	s6 =	smul.u32 $0x60, s2  }
0xb: {  	s1 =	ssub.s32 $0x2, s1;
	s7 =	smul.u32 $0x140, s2;
	s8 =	sshll.u32 s2, $0x5  }
0xc: {  	s2 =	smul.u32 $0x50, s2;
	s21 =	sshrl.u32 s1, $0x1;
	s8 =	sadd.s32 s8, s0  }
0xd: {  	s1 =	ssub.s32 s1, s21;
	s21 =	simm.s32 $0xE00;
	s6 =	sadd.s32 s6, s0  }
0xe: {  	s7 =	sadd.s32 s7, s0;
	s0 =	sadd.s32 s2, s0;
	s23 =	sadd.s32 $0x5E00, s8  }
0xf: {  	s26 =	smax.u32 s1, $0x1;
	s1 =	simm.s32 $0x3;
	[dreg:$0x3] =	wrdreg s23  }
0x10: {  	s8 =	simm.s32 $0x6;
	s22 =	sadd.s32 $0x3600, s7;
	[dreg:$0x7] =	wrdreg s26  }
0x11: {  	s24 =	sadd.s32 $0x2A00, s6;
	s25 =	sadd.s32 $0x6200, s7;
	[dreg:$0x2] =	wrdreg s22  }
0x12: {  	s0 =	sadd.s32 $0x8A00, s0;
	s23 =	simm.s32 $0x50;
	[dreg:$0x4] =	wrdreg s24  }
0x13: {  	s6 =	simm.s32 $0x4;
	s7 =	simm.s32 $0x5;
	[dreg:$0x5] =	wrdreg s25  }
0x14: {  	s26 =	simm.s32 $0xA600;
	[dreg:$0x6] =	wrdreg s0;
	s0 =	simm.s32 $0x2  }
0x15: {  	s22 =	simm.s32 $0x8600;
	s24 =	simm.s32 $0x9A00;
	s25 =	simm.s32 $0xA000  }
.LBB2_1:
0x16: {  	[dreg:$0x8] =	wrdreg s16  }
0x17: {  	s2 =	rddreg [dreg:$0x2]  }
0x18: {  	[tilespmem:s12], [sflag:$0xD] =	stream.linear.gather [hbm4b:s2+s12], $0xA00, $0x38;
	[tilespmem:$0x15680] =	vst v63  }
0x19: {  	_ =	swait.ge [sflag:s15], $0xA00  }
0x1a: {  	[sflag:s15] =	ssyncset.done $0x0  }
0x1b: {  	s16 =	simm.s32 $0xA00;
	s17 =	rddreg [dreg:$0x3];
	[sflag:s15] =	ssyncadd.s32 $0xFFFFF600  }
0x1c: {  	[tilespmem:s16], [sflag:$0xD] =	stream.linear.gather [hbm4b:s17+s12], $0x100, $0x38;
	[tilespmem:$0x15680] =	vst v63  }
0x1d: {  	_ =	swait.ge [sflag:s15], $0x100  }
0x1e: {  	[sflag:s15] =	ssyncset.done $0x0  }
0x1f: {  	s17 =	simm.s32 $0xB00;
	s2 =	rddreg [dreg:$0x4];
	[sflag:s15] =	ssyncadd.s32 $0xFFFFFF00  }
0x20: {  	[tilespmem:s17], [sflag:$0xD] =	stream.linear.gather [hbm4b:s2+s12], $0x300, $0x38;
	[tilespmem:$0x15680] =	vst v63  }
0x21: {  	_ =	swait.ge [sflag:s15], $0x300  }
0x22: {  	[sflag:s15] =	ssyncset.done $0x0  }
0x23: {  	[sflag:s15] =	ssyncadd.s32 $0xFFFFFD00  }
0x24: {  	[tilespmem:s19], [sflag:$0x1] =	stream.indirect.gather [hbm4b:s4+s23], $0xC0, s12, s23, $0xb8;
	[tilespmem:$0x15680] =	vst v63  }
0x25: {  	_ = 	snop  }
0x26: {  	[tilespmem:s21], [sflag:$0x2] =	stream.indirect.gather [hbm4b:s3+s23], $0xC0, s12, s23, $0xb8;
	[tilespmem:$0x15680] =	vst v63  }
0x27: {  	_ = 	snop  }
0x28: {  	[tilespmem:s22], [sflag:$0x3] =	stream.indirect.gather [hbm4b:s5+s23], $0x40, s12, s23, $0xb8;
	[tilespmem:$0x15680] =	vst v63  }
0x29: {  	_ = 	snop  }
0x2a: {  	[tilespmem:s24], [sflag:$0x4] =	stream.indirect.gather [hbm4b:s5+s18], $0x40, s17, s18, $0xb8;
	[tilespmem:$0x15680] =	vst v63  }
0x2b: {  	_ = 	snop  }
0x2c: {  	[tilespmem:s25], [sflag:$0x5] =	stream.indirect.gather [hbm4b:s3+s20], $0xC0, s16, s20, $0xb8;
	[tilespmem:$0x15680] =	vst v63  }
0x2d: {  	_ = 	snop  }
0x2e: {  	[tilespmem:s26], [sflag:$0x6] =	stream.indirect.gather [hbm4b:s4+s20], $0xC0, s16, s20, $0xb8;
	[tilespmem:$0x15680] =	vst v63  }
0x2f: {  	s12 =	simm.s32 $0xE800  }
0x30: {  	[tilespmem:s12], [sflag:$0x7] =	stream.indirect.gather [hbm4b:s4+s23], $0xC0, s23, s23, $0xb8;
	[tilespmem:$0x15680] =	vst v63  }
0x31: {  	s15 =	simm.s32 $0xAC00  }
0x32: {  	[tilespmem:s15], [sflag:$0x8] =	stream.indirect.gather [hbm4b:s3+s23], $0xC0, s23, s23, $0xb8;
	[tilespmem:$0x15680] =	vst v63  }
0x33: {  	s16 =	simm.s32 $0x12400  }
0x34: {  	[tilespmem:s16], [sflag:$0x9] =	stream.indirect.gather [hbm4b:s5+s23], $0x40, s23, s23, $0xb8;
	[tilespmem:$0x15680] =	vst v63  }
0x35: {  	s12 =	simm.s32 $0xB18  }
0x36: {  	[tilespmem:s28], [sflag:$0xA] =	stream.indirect.gather [hbm4b:s5+s18], $0x40, s12, s18, $0xb8;
	[tilespmem:$0x15680] =	vst v63  }
0x37: {  	s17 =	simm.s32 $0xA08  }
0x38: {  	[tilespmem:s29], [sflag:$0xB] =	stream.indirect.gather [hbm4b:s3+s20], $0xC0, s17, s20, $0xb8;
	[tilespmem:$0x15680] =	vst v63  }
0x39: {  	_ = 	snop  }
0x3a: {  	[tilespmem:s30], [sflag:$0xC] =	stream.indirect.gather [hbm4b:s4+s20], $0xC0, s17, s20, $0xb8;
	[tilespmem:$0x15680] =	vst v63  }
0x3b: {  	_ =	swait.ge [sflag:s31], $0x3C00  }
0x3c: {  	[sflag:s31] =	ssyncset.done $0x0  }
0x3d: {  	[sflag:s31] =	ssyncadd.s32 $0xFFFFC400  }
0x3e: {  	_ =	swait.ge [sflag:s0], $0x3C00  }
0x3f: {  	[sflag:s0] =	ssyncset.done $0x0  }
0x40: {  	[sflag:s0] =	ssyncadd.s32 $0xFFFFC400  }
0x41: {  	_ =	swait.ge [sflag:s1], $0x1400  }
0x42: {  	[sflag:s1] =	ssyncset.done $0x0  }
0x43: {  	[sflag:s1] =	ssyncadd.s32 $0xFFFFEC00  }
0x44: {  	_ =	swait.ge [sflag:s6], $0x600  }
0x45: {  	[sflag:s6] =	ssyncset.done $0x0  }
0x46: {  	[sflag:s6] =	ssyncadd.s32 $0xFFFFFA00  }
0x47: {  	_ =	swait.ge [sflag:s7], $0x600  }
0x48: {  	[sflag:s7] =	ssyncset.done $0x0  }
0x49: {  	[sflag:s7] =	ssyncadd.s32 $0xFFFFFA00  }
0x4a: {  	_ =	swait.ge [sflag:s8], $0x600  }
0x4b: {  	[sflag:s8] =	ssyncset.done $0x0  }
0x4c: {  	s15 =	simm.s32 $0xA0;
	[sflag:s8] =	ssyncadd.s32 $0xFFFFFA00  }
0x4d: {  	[tilespmem:s19], [sflag:$0x1] =	stream.indirect.gather [hbm4b:s4+s23], $0xC0, s15, s23, $0xb8;
	[tilespmem:$0x15680] =	vst v63  }
0x4e: {  	_ = 	snop  }
0x4f: {  	[tilespmem:s21], [sflag:$0x2] =	stream.indirect.gather [hbm4b:s3+s23], $0xC0, s15, s23, $0xb8;
	[tilespmem:$0x15680] =	vst v63  }
0x50: {  	_ = 	snop  }
0x51: {  	[tilespmem:s22], [sflag:$0x3] =	stream.indirect.gather [hbm4b:s5+s23], $0x40, s15, s23, $0xb8;
	[tilespmem:$0x15680] =	vst v63  }
0x52: {  	s16 =	simm.s32 $0xB30  }
0x53: {  	[tilespmem:s24], [sflag:$0x4] =	stream.indirect.gather [hbm4b:s5+s18], $0x40, s16, s18, $0xb8;
	[tilespmem:$0x15680] =	vst v63  }
0x54: {  	s17 =	simm.s32 $0xA10  }
0x55: {  	[tilespmem:s25], [sflag:$0x5] =	stream.indirect.gather [hbm4b:s3+s20], $0xC0, s17, s20, $0xb8;
	[tilespmem:$0x15680] =	vst v63  }
0x56: {  	_ = 	snop  }
0x57: {  	[tilespmem:s26], [sflag:$0x6] =	stream.indirect.gather [hbm4b:s4+s20], $0xC0, s17, s20, $0xb8;
	[tilespmem:$0x15680] =	vst v63  }
0x58: {  	_ =	swait.ge [sflag:s9], $0x3C00  }
0x59: {  	[sflag:s9] =	ssyncset.done $0x0  }
0x5a: {  	[sflag:s9] =	ssyncadd.s32 $0xFFFFC400  }
0x5b: {  	_ =	swait.ge [sflag:s20], $0x3C00  }
0x5c: {  	[sflag:s20] =	ssyncset.done $0x0  }
0x5d: {  	[sflag:s20] =	ssyncadd.s32 $0xFFFFC400  }
0x5e: {  	_ =	swait.ge [sflag:s14], $0x1400  }
0x5f: {  	[sflag:s14] =	ssyncset.done $0x0  }
0x60: {  	[sflag:s14] =	ssyncadd.s32 $0xFFFFEC00  }
0x61: {  	_ =	swait.ge [sflag:s10], $0x600  }
0x62: {  	[sflag:s10] =	ssyncset.done $0x0  }
0x63: {  	[sflag:s10] =	ssyncadd.s32 $0xFFFFFA00  }
0x64: {  	_ =	swait.ge [sflag:s11], $0x600  }
0x65: {  	[sflag:s11] =	ssyncset.done $0x0  }
0x66: {  	[sflag:s11] =	ssyncadd.s32 $0xFFFFFA00  }
0x67: {  	_ =	swait.ge [sflag:s13], $0x600  }
0x68: {  	s2 =	simm.s32 $0x40;
	s15 =	simm.s32 $0x50;
	[sflag:s13] =	ssyncset.done $0x0  }
.LBB2_2:
0x69: {  	[sflag:s13] =	ssyncadd.s32 $0xFFFFFA00;
	s12 =	sadd.s32 $0x30, s12  }
0x6a: {  	s15 =	sadd.s32 $0xA0, s15;
	s16 =	simm.s32 $0xE800;
	p0 =	sne.s32 s2, $0x380  }
0x6b: {  	[tilespmem:s16], [sflag:$0x7] =	stream.indirect.gather [hbm4b:s4+s23], $0xC0, s15, s23, $0xb8;
	[tilespmem:$0x15680] =	vst v63  }
0x6c: {  	s17 =	simm.s32 $0xAC00;
	s16 =	smov.u32 s2;
	s2 =	sadd.s32 $0x40, s2  }
0x6d: {  	[tilespmem:s17], [sflag:$0x8] =	stream.indirect.gather [hbm4b:s3+s23], $0xC0, s15, s23, $0xb8;
	[tilespmem:$0x15680] =	vst v63  }
0x6e: {  	s17 =	simm.s32 $0x12400  }
0x6f: {  	[tilespmem:s17], [sflag:$0x9] =	stream.indirect.gather [hbm4b:s5+s23], $0x40, s15, s23, $0xb8;
	[tilespmem:$0x15680] =	vst v63  }
0x70: {  	s16 =	sshra.s32 s16, $0x2  }
0x71: {  	[tilespmem:s28], [sflag:$0xA] =	stream.indirect.gather [hbm4b:s5+s18], $0x40, s12, s18, $0xb8;
	[tilespmem:$0x15680] =	vst v63  }
0x72: {  	s17 =	sadd.s32 $0xA08, s16  }
0x73: {  	[tilespmem:s29], [sflag:$0xB] =	stream.indirect.gather [hbm4b:s3+s20], $0xC0, s17, s20, $0xb8;
	[tilespmem:$0x15680] =	vst v63  }
0x74: {  	_ = 	snop  }
0x75: {  	[tilespmem:s30], [sflag:$0xC] =	stream.indirect.gather [hbm4b:s4+s20], $0xC0, s17, s20, $0xb8;
	[tilespmem:$0x15680] =	vst v63  }
0x76: {  	_ =	swait.ge [sflag:s31], $0x3C00  }
0x77: {  	[sflag:s31] =	ssyncset.done $0x0  }
0x78: {  	[sflag:s31] =	ssyncadd.s32 $0xFFFFC400  }
0x79: {  	_ =	swait.ge [sflag:s0], $0x3C00  }
0x7a: {  	[sflag:s0] =	ssyncset.done $0x0  }
0x7b: {  	[sflag:s0] =	ssyncadd.s32 $0xFFFFC400  }
0x7c: {  	_ =	swait.ge [sflag:s1], $0x1400  }
0x7d: {  	[sflag:s1] =	ssyncset.done $0x0  }
0x7e: {  	[sflag:s1] =	ssyncadd.s32 $0xFFFFEC00  }
0x7f: {  	_ =	swait.ge [sflag:s6], $0x600  }
0x80: {  	[sflag:s6] =	ssyncset.done $0x0  }
0x81: {  	[sflag:s6] =	ssyncadd.s32 $0xFFFFFA00  }
0x82: {  	_ =	swait.ge [sflag:s7], $0x600  }
0x83: {  	[sflag:s7] =	ssyncset.done $0x0  }
0x84: {  	[sflag:s7] =	ssyncadd.s32 $0xFFFFFA00  }
0x85: {  	_ =	swait.ge [sflag:s8], $0x600  }
0x86: {  	[sflag:s8] =	ssyncset.done $0x0  }
0x87: {  	s17 =	sadd.s32 $0x50, s15;
	[sflag:s8] =	ssyncadd.s32 $0xFFFFFA00  }
0x88: {  	[tilespmem:s19], [sflag:$0x1] =	stream.indirect.gather [hbm4b:s4+s23], $0xC0, s17, s23, $0xb8;
	[tilespmem:$0x15680] =	vst v63  }
0x89: {  	_ = 	snop  }
0x8a: {  	[tilespmem:s21], [sflag:$0x2] =	stream.indirect.gather [hbm4b:s3+s23], $0xC0, s17, s23, $0xb8;
	[tilespmem:$0x15680] =	vst v63  }
0x8b: {  	_ = 	snop  }
0x8c: {  	[tilespmem:s22], [sflag:$0x3] =	stream.indirect.gather [hbm4b:s5+s23], $0x40, s17, s23, $0xb8;
	[tilespmem:$0x15680] =	vst v63  }
0x8d: {  	s17 =	sadd.s32 $0x18, s12  }
0x8e: {  	[tilespmem:s24], [sflag:$0x4] =	stream.indirect.gather [hbm4b:s5+s18], $0x40, s17, s18, $0xb8;
	[tilespmem:$0x15680] =	vst v63  }
0x8f: {  	s16 =	sadd.s32 $0xA10, s16  }
0x90: {  	[tilespmem:s25], [sflag:$0x5] =	stream.indirect.gather [hbm4b:s3+s20], $0xC0, s16, s20, $0xb8;
	[tilespmem:$0x15680] =	vst v63  }
0x91: {  	_ = 	snop  }
0x92: {  	[tilespmem:s26], [sflag:$0x6] =	stream.indirect.gather [hbm4b:s4+s20], $0xC0, s16, s20, $0xb8;
	[tilespmem:$0x15680] =	vst v63  }
0x93: {  	_ =	swait.ge [sflag:s9], $0x3C00  }
0x94: {  	[sflag:s9] =	ssyncset.done $0x0  }
0x95: {  	[sflag:s9] =	ssyncadd.s32 $0xFFFFC400  }
0x96: {  	_ =	swait.ge [sflag:s20], $0x3C00  }
0x97: {  	[sflag:s20] =	ssyncset.done $0x0  }
0x98: {  	[sflag:s20] =	ssyncadd.s32 $0xFFFFC400  }
0x99: {  	_ =	swait.ge [sflag:s14], $0x1400  }
0x9a: {  	[sflag:s14] =	ssyncset.done $0x0  }
0x9b: {  	[sflag:s14] =	ssyncadd.s32 $0xFFFFEC00  }
0x9c: {  	_ =	swait.ge [sflag:s10], $0x600  }
0x9d: {  	[sflag:s10] =	ssyncset.done $0x0  }
0x9e: {  	[sflag:s10] =	ssyncadd.s32 $0xFFFFFA00  }
.Ltmp0:
0x9f: {  	_ =	swait.ge [sflag:s11], $0x600;
	(pc) =	sbr.rel @p0 .LBB2_2-.Ltmp0, $4  }
0xa0: {  	[sflag:s11] =	ssyncset.done $0x0  }
0xa1: {  	[sflag:s11] =	ssyncadd.s32 $0xFFFFFA00  }
0xa2: {  	_ =	swait.ge [sflag:s13], $0x600  }
0xa3: {  	[sflag:s13] =	ssyncset.done $0x0  }
0xa4: {  	[sflag:s13] =	ssyncadd.s32 $0xFFFFFA00;
	s2 =	simm.s32 $0xE800;
	s12 =	simm.s32 $0x9B0  }
0xa5: {  	[tilespmem:s2], [sflag:$0x7] =	stream.indirect.gather [hbm4b:s4+s23], $0xC0, s12, s23, $0xb8;
	[tilespmem:$0x15680] =	vst v63  }
0xa6: {  	s16 =	simm.s32 $0xAC00  }
0xa7: {  	[tilespmem:s16], [sflag:$0x8] =	stream.indirect.gather [hbm4b:s3+s23], $0xC0, s12, s23, $0xb8;
	[tilespmem:$0x15680] =	vst v63  }
0xa8: {  	s17 =	simm.s32 $0x12400  }
0xa9: {  	[tilespmem:s17], [sflag:$0x9] =	stream.indirect.gather [hbm4b:s5+s23], $0x40, s12, s23, $0xb8;
	[tilespmem:$0x15680] =	vst v63  }
0xaa: {  	s12 =	simm.s32 $0xDE8  }
0xab: {  	[tilespmem:s28], [sflag:$0xA] =	stream.indirect.gather [hbm4b:s5+s18], $0x40, s12, s18, $0xb8;
	[tilespmem:$0x15680] =	vst v63  }
0xac: {  	s15 =	simm.s32 $0xAF8  }
0xad: {  	[tilespmem:s29], [sflag:$0xB] =	stream.indirect.gather [hbm4b:s3+s20], $0xC0, s15, s20, $0xb8;
	[tilespmem:$0x15680] =	vst v63  }
0xae: {  	_ = 	snop  }
0xaf: {  	[tilespmem:s30], [sflag:$0xC] =	stream.indirect.gather [hbm4b:s4+s20], $0xC0, s15, s20, $0xb8;
	[tilespmem:$0x15680] =	vst v63  }
0xb0: {  	_ =	swait.ge [sflag:s31], $0x3C00  }
0xb1: {  	[sflag:s31] =	ssyncset.done $0x0  }
0xb2: {  	[sflag:s31] =	ssyncadd.s32 $0xFFFFC400  }
0xb3: {  	_ =	swait.ge [sflag:s0], $0x3C00  }
0xb4: {  	[sflag:s0] =	ssyncset.done $0x0  }
0xb5: {  	[sflag:s0] =	ssyncadd.s32 $0xFFFFC400  }
0xb6: {  	_ =	swait.ge [sflag:s1], $0x1400  }
0xb7: {  	[sflag:s1] =	ssyncset.done $0x0  }
0xb8: {  	[sflag:s1] =	ssyncadd.s32 $0xFFFFEC00  }
0xb9: {  	_ =	swait.ge [sflag:s6], $0x600  }
0xba: {  	[sflag:s6] =	ssyncset.done $0x0  }
0xbb: {  	[sflag:s6] =	ssyncadd.s32 $0xFFFFFA00  }
0xbc: {  	_ =	swait.ge [sflag:s7], $0x600  }
0xbd: {  	[sflag:s7] =	ssyncset.done $0x0  }
0xbe: {  	[sflag:s7] =	ssyncadd.s32 $0xFFFFFA00  }
0xbf: {  	_ =	swait.ge [sflag:s8], $0x600  }
0xc0: {  	[sflag:s8] =	ssyncset.done $0x0  }
0xc1: {  	[sflag:s8] =	ssyncadd.s32 $0xFFFFFA00  }
0xc2: {  	_ =	swait.ge [sflag:s9], $0x3C00  }
0xc3: {  	[sflag:s9] =	ssyncset.done $0x0  }
0xc4: {  	[sflag:s9] =	ssyncadd.s32 $0xFFFFC400  }
0xc5: {  	_ =	swait.ge [sflag:s20], $0x3C00  }
0xc6: {  	[sflag:s20] =	ssyncset.done $0x0  }
0xc7: {  	[sflag:s20] =	ssyncadd.s32 $0xFFFFC400  }
0xc8: {  	_ =	swait.ge [sflag:s14], $0x1400  }
0xc9: {  	[sflag:s14] =	ssyncset.done $0x0  }
0xca: {  	[sflag:s14] =	ssyncadd.s32 $0xFFFFEC00  }
0xcb: {  	_ =	swait.ge [sflag:s10], $0x600  }
0xcc: {  	[sflag:s10] =	ssyncset.done $0x0  }
0xcd: {  	[sflag:s10] =	ssyncadd.s32 $0xFFFFFA00  }
0xce: {  	_ =	swait.ge [sflag:s11], $0x600  }
0xcf: {  	[sflag:s11] =	ssyncset.done $0x0  }
0xd0: {  	[sflag:s11] =	ssyncadd.s32 $0xFFFFFA00  }
0xd1: {  	_ =	swait.ge [sflag:s13], $0x600  }
0xd2: {  	s12 =	simm.s32 $0x0;
	[sflag:s13] =	ssyncset.done $0x0  }
0xd3: {  	s15 =	simm.s32 $0x14A00;
	s16 =	rddreg [dreg:$0x5];
	[sflag:s13] =	ssyncadd.s32 $0xFFFFFA00  }
0xd4: {  	[hbm4b:s16+s12] =	stream.linear.scatter [tilespmem:s15], [sflag:$0xD], $0xA00, $0x38;
	[tilespmem:$0x15680] =	vst v63  }
0xd5: {  	s15 =	simm.s32 $0xD  }
0xd6: {  	_ =	swait.ge [sflag:s15], $0xA00  }
0xd7: {  	[sflag:s15] =	ssyncset.done $0x0  }
0xd8: {  	s16 =	simm.s32 $0x15400;
	s17 =	rddreg [dreg:$0x6];
	[sflag:s15] =	ssyncadd.s32 $0xFFFFF600  }
0xd9: {  	[hbm4b:s17+s12] =	stream.linear.scatter [tilespmem:s16], [sflag:$0xD], $0x280, $0x38;
	[tilespmem:$0x15680] =	vst v63  }
0xda: {  	_ =	swait.ge [sflag:s15], $0x280  }
0xdb: {  	s2 =	rddreg [dreg:$0x8]  }
0xdc: {  	s17 =	rddreg [dreg:$0x7];
	s16 =	sadd.s32 $0x1, s2  }
0xdd: {  	p0 =	sne.s32 s16, s17  }
.Ltmp1:
0xde: {  	_ = 	snop;
	(pc) =	sbr.rel @p0 .LBB2_1-.Ltmp1, $3  }
0xdf: {  	_ =	sdelay $0x1  }
0xe0: {  	[sflag:s15] =	ssyncset.done $0x0  }
0xe1: {  	[sflag:s15] =	ssyncadd.s32 $0xFFFFFD80  }
0xe2: {  	_ =	sfence.sel $0x180000  }
0xe3: {  	[bflag:$0x0] =	sbarrier.arrive $0xFFFF  }
0xe4: {  	_ =	strace $0x90000047  }
0xe5: {  	s0 =	stileid.u32;
	[bflag:$0x2] =	sbarrier.arrive $0xFFFF  }
0xe6: {  	p0 =	sne.s32 s0, $0x0;
	s0 =	rddreg [dreg:$0x1]  }
0xe7: {  	s0 =	sadd.s32 @!p0 $0x100000, s0  }
0xe8: {  	[sflag:s0] =	ssyncadd.tile.s32 @!p0 $0x1;
	_ =	shalt  }
.Lfunc_end2:
_tile_overlayer_lowered:
.L_overlay_start_2:
0xe9: {  	(tag) =	ssettag $0x2  }
0xea: {  	s0 =	rddreg [dreg:$0x0];
	s2 =	stileid.u32  }
0xeb: {  	s1 =	rddreg [dreg:$0x1];
	p0 =	sne.s32 s2, $0x0  }
0xec: {  	s3 =	rddreg [dreg:$0x2];
	[bflag:$0x3] =	sbarrier.arrive $0xFFFF;
	s2 =	simm.s32 @!p0 $0x1C0D  }
0xed: {  	[timem:s3], [sflag:s2] =	dma.local @!p0 [hbm:s0], s1  }
0xee: {  	s0 =	simm.s32 @!p0 $0xD  }
0xef: {  	_ =	swait.ge @!p0 [sflag:s0], s1  }
0xf0: {  	s1 =	ssub.s32 @!p0 $0x0, s1;
	[sflag:s0] =	ssyncset.done @!p0 $0x0  }
0xf1: {  	[sflag:s0] =	ssyncadd.s32 @!p0 s1  }
0xf2: {  	[bflag:$0x3] =	sbarrier.arrive $0xFFFF  }
0xf3: {  	_ =	shalt  }

</sc_bundles>
